<compile_context>
chip_gen: v7x
topology: tpu7x:2x2x1
jax: 0.10.2.dev20260603
libtpu: 0.0.44.dev20260713+nightly
codegen_flags: <defaults>
</compile_context>

<pallas_src>
import functools

import jax
import jax.numpy as jnp
from jax import lax
from jax.experimental import pallas as pl
from jax.experimental.pallas import tpu as pltpu
from jax.experimental.pallas import tpu_sc as plsc

NUM_EMB = 1000000
EMB_DIM = 64
BATCH = 16384

L = 16
NC = 2
NS = 16
NW = NC * NS
CHUNK = 128
ROWS_PER_W = BATCH // (NW * CHUNK)

_SCALE = 1.0 / (BATCH * 2 * EMB_DIM)


def _sc_loss_body(idx0_hbm, idx1_hbm, t0_hbm, t1_hbm, out_hbm,
                  idx0_v, idx1_v, rows0_v, rows1_v, part_v, acc_sh, sum_v,
                  sem):
    c = lax.axis_index("c")
    s = lax.axis_index("s")
    wid = s * NC + c
    base = wid * ROWS_PER_W

    pltpu.sync_copy(idx0_hbm.at[pl.ds(base, ROWS_PER_W)], idx0_v)
    pltpu.sync_copy(idx1_hbm.at[pl.ds(base, ROWS_PER_W)], idx1_v)

    copies = []
    for j in range(ROWS_PER_W):
        copies.append(
            pltpu.async_copy(t0_hbm.at[idx0_v.at[j]], rows0_v.at[j], sem))
        copies.append(
            pltpu.async_copy(t1_hbm.at[idx1_v.at[j]], rows1_v.at[j], sem))
    for cp in copies:
        cp.wait()

    zero = jnp.zeros((L,), jnp.float32)

    def body(r, accs):
        a0, a1, a2, a3 = accs
        for rows in (rows0_v, rows1_v):
            for j in range(ROWS_PER_W):
                a0 = a0 + rows[j, r, pl.ds(0 * L, L)]
                a1 = a1 + rows[j, r, pl.ds(1 * L, L)]
                a2 = a2 + rows[j, r, pl.ds(2 * L, L)]
                a3 = a3 + rows[j, r, pl.ds(3 * L, L)]
        return (a0, a1, a2, a3)

    a0, a1, a2, a3 = lax.fori_loop(0, CHUNK, body, (zero, zero, zero, zero))
    part_v[...] = (a0 + a1) + (a2 + a3)

    pltpu.sync_copy(part_v, acc_sh.at[s])
    plsc.subcore_barrier()

    @pl.when(s == 0)
    def _leader():
        pltpu.sync_copy(acc_sh, sum_v)
        tot = sum_v[0, :]
        for i in range(1, NS):
            tot = tot + sum_v[i, :]
        part_v[...] = tot * _SCALE
        pltpu.sync_copy(part_v, out_hbm.at[c])


_sc_loss = functools.partial(
    pl.kernel,
    out_type=jax.ShapeDtypeStruct((NC, L), jnp.float32),
    mesh=plsc.VectorSubcoreMesh(core_axis_name="c", subcore_axis_name="s"),
    compiler_params=pltpu.CompilerParams(use_tc_tiling_on_sc=False),
    scratch_types=[
        pltpu.VMEM((ROWS_PER_W, CHUNK), jnp.int32),
        pltpu.VMEM((ROWS_PER_W, CHUNK), jnp.int32),
        pltpu.VMEM((ROWS_PER_W, CHUNK, EMB_DIM), jnp.float32),
        pltpu.VMEM((ROWS_PER_W, CHUNK, EMB_DIM), jnp.float32),
        pltpu.VMEM((L,), jnp.float32),
        pltpu.VMEM_SHARED((NS, L), jnp.float32),
        pltpu.VMEM((NS, L), jnp.float32),
        pltpu.SemaphoreType.DMA,
    ],
)(_sc_loss_body)


@jax.jit
def kernel(indices_f0, indices_f1, table_0, table_1):
    idx0 = indices_f0.astype(jnp.int32).reshape(BATCH // CHUNK, CHUNK)
    idx1 = indices_f1.astype(jnp.int32).reshape(BATCH // CHUNK, CHUNK)
    out = _sc_loss(idx0, idx1, table_0, table_1)
    return jnp.sum(out)

# --- scband reference (transcript-rebuilt; emitter-appended) ---
"""Pipeline reference for scband-sparse-arch-72894184947986 (READ-ONLY COPY).

The authoritative reference and input builder live on the scoring server;
editing this copy changes nothing except your own understanding.
"""

import jax, jax.numpy as jnp
import numpy as np

NUM_EMB = 1000000
EMB_DIM = 64
BATCH = 16384
INPUT_HASH_SIZE = 4000

def setup_inputs(seed: int = 0) -> dict:
    key = jax.random.key(seed)
    k0, k1, k2, k3 = jax.random.split(key, 4)
    indices_f0 = jax.random.randint(k0, (BATCH,), 0, INPUT_HASH_SIZE, dtype=jnp.int64) if jax.config.jax_enable_x64 else jax.random.randint(k0, (BATCH,), 0, INPUT_HASH_SIZE, dtype=jnp.int32)
    indices_f1 = jax.random.randint(k1, (BATCH,), 0, INPUT_HASH_SIZE, dtype=indices_f0.dtype)
    table_0 = jax.random.normal(k2, (NUM_EMB, EMB_DIM), dtype=jnp.float32) * 0.02
    table_1 = jax.random.normal(k3, (NUM_EMB, EMB_DIM), dtype=jnp.float32) * 0.02
    return {"indices_f0": indices_f0, "indices_f1": indices_f1, "table_0": table_0, "table_1": table_1}

def reference(indices_f0, indices_f1, table_0, table_1):
    # Managed collision remapping: mch_hash_func is id % hash_size; with
    # mch_size=None the full zch_size == num_embeddings is the remap space.
    remapped_f0 = jnp.mod(indices_f0, NUM_EMB)
    remapped_f1 = jnp.mod(indices_f1, NUM_EMB)
    # EmbeddingCollection lookup per feature (sequence embedding, 1 id/sample)
    e0 = jnp.take(table_0, remapped_f0, axis=0)  # [B, D]
    e1 = jnp.take(table_1, remapped_f1, axis=0)  # [B, D]
    # pred = torch.cat([ec_out['feature_0'].values(), ec_out['feature_1'].values()], dim=1)
    pred = jnp.concatenate([e0, e1], axis=1)  # [B, 2D]
    loss = jnp.mean(pred)
    return loss

if __name__ == "__main__":
    import jax
    _d = setup_inputs()
    print(jax.jit(kernel)(*tuple(_d.values())))

</pallas_src>

<mosaic_0001>
#map = affine_map<(d0, d1) -> (0, 0)>
module attributes {stable_mosaic.version = 14 : i64} {
  func.func @_sc_loss_body(%arg0: i32, %arg1: i32, %arg2: memref<128x128xi32, #tpu.memory_space<hbm>>, %arg3: memref<128x128xi32, #tpu.memory_space<hbm>>, %arg4: memref<1000000x64xf32, #tpu.memory_space<hbm>>, %arg5: memref<1000000x64xf32, #tpu.memory_space<hbm>>, %arg6: memref<2x16xf32, #tpu.memory_space<hbm>>, %arg7: memref<4x128xi32, #tpu.memory_space<vmem>>, %arg8: memref<4x128xi32, #tpu.memory_space<vmem>>, %arg9: memref<4x128x64xf32, #tpu.memory_space<vmem>>, %arg10: memref<4x128x64xf32, #tpu.memory_space<vmem>>, %arg11: memref<16xf32, #tpu.memory_space<vmem>>, %arg12: memref<16x16xf32, #tpu.memory_space<vmem_shared>>, %arg13: memref<16x16xf32, #tpu.memory_space<vmem>>, %arg14: memref<!tpu.dma_semaphore, #tpu.memory_space<semaphore_mem>>) attributes {dimension_semantics = [#tpu.dimension_semantics<core_parallel>, #tpu.dimension_semantics<subcore_parallel>], iteration_bounds = array<i64: 2, 16>, scalar_prefetch = 0 : i64, scratch_operands = 8 : i64, tpu.core_type = #tpu.core_type<sc_vector_subcore>, window_params = [{transform_indices = #map}, {transform_indices = #map}, {transform_indices = #map}, {transform_indices = #map}, {transform_indices = #map}]} {
    %mul3A = arith.constant 2 : i32
    %mul3A_0 = arith.muli %arg1, %mul3A : i32
    %add3A = arith.addi %mul3A_0, %arg0 : i32
    %mul3A_1 = arith.constant 4 : i32
    %mul3A_2 = arith.muli %add3A, %mul3A_1 : i32
    "tpu.region"() ({
      %run_scoped3A = tpu.sem_alloc : memref<!tpu.dma_semaphore, #tpu.memory_space<semaphore_mem>>
      %dma_start3A_207 = arith.constant 0 : i32
      %dma_start3A_208 = tpu.memref_slice %arg2[%mul3A_2, %dma_start3A_207] : memref<128x128xi32, #tpu.memory_space<hbm>> -> memref<4x128xi32, #tpu.memory_space<hbm>>
      %dma_start3A_209 = arith.constant 0 : i32
      %dma_start3A_210 = tpu.memref_slice %arg2[%mul3A_2, %dma_start3A_209] : memref<128x128xi32, #tpu.memory_space<hbm>> -> memref<4x128xi32, #tpu.memory_space<hbm>>
      tpu.enqueue_dma source(%dma_start3A_210 : memref<4x128xi32, #tpu.memory_space<hbm>>) target(%arg7 : memref<4x128xi32, #tpu.memory_space<vmem>>) target_semaphore(%run_scoped3A : memref<!tpu.dma_semaphore, #tpu.memory_space<semaphore_mem>>)
      %dma_wait3A_211 = arith.constant 0 : i32
      %dma_wait3A_212 = tpu.memref_slice %arg2[%mul3A_2, %dma_wait3A_211] : memref<128x128xi32, #tpu.memory_space<hbm>> -> memref<4x128xi32, #tpu.memory_space<hbm>>
      %dma_wait3A_213 = arith.constant 0 : i32
      %dma_wait3A_214 = tpu.memref_slice %arg2[%mul3A_2, %dma_wait3A_213] : memref<128x128xi32, #tpu.memory_space<hbm>> -> memref<4x128xi32, #tpu.memory_space<hbm>>
      tpu.wait_dma2 semaphore(%run_scoped3A : memref<!tpu.dma_semaphore, #tpu.memory_space<semaphore_mem>>) src(%dma_wait3A_214 : memref<4x128xi32, #tpu.memory_space<hbm>>) dst(%arg7 : memref<4x128xi32, #tpu.memory_space<vmem>>)
      tpu.yield
    }) : () -> ()
    "tpu.region"() ({
      %run_scoped3A = tpu.sem_alloc : memref<!tpu.dma_semaphore, #tpu.memory_space<semaphore_mem>>
      %dma_start3A_207 = arith.constant 0 : i32
      %dma_start3A_208 = tpu.memref_slice %arg3[%mul3A_2, %dma_start3A_207] : memref<128x128xi32, #tpu.memory_space<hbm>> -> memref<4x128xi32, #tpu.memory_space<hbm>>
      %dma_start3A_209 = arith.constant 0 : i32
      %dma_start3A_210 = tpu.memref_slice %arg3[%mul3A_2, %dma_start3A_209] : memref<128x128xi32, #tpu.memory_space<hbm>> -> memref<4x128xi32, #tpu.memory_space<hbm>>
      tpu.enqueue_dma source(%dma_start3A_210 : memref<4x128xi32, #tpu.memory_space<hbm>>) target(%arg8 : memref<4x128xi32, #tpu.memory_space<vmem>>) target_semaphore(%run_scoped3A : memref<!tpu.dma_semaphore, #tpu.memory_space<semaphore_mem>>)
      %dma_wait3A_211 = arith.constant 0 : i32
      %dma_wait3A_212 = tpu.memref_slice %arg3[%mul3A_2, %dma_wait3A_211] : memref<128x128xi32, #tpu.memory_space<hbm>> -> memref<4x128xi32, #tpu.memory_space<hbm>>
      %dma_wait3A_213 = arith.constant 0 : i32
      %dma_wait3A_214 = tpu.memref_slice %arg3[%mul3A_2, %dma_wait3A_213] : memref<128x128xi32, #tpu.memory_space<hbm>> -> memref<4x128xi32, #tpu.memory_space<hbm>>
      tpu.wait_dma2 semaphore(%run_scoped3A : memref<!tpu.dma_semaphore, #tpu.memory_space<semaphore_mem>>) src(%dma_wait3A_214 : memref<4x128xi32, #tpu.memory_space<hbm>>) dst(%arg8 : memref<4x128xi32, #tpu.memory_space<vmem>>)
      tpu.yield
    }) : () -> ()
    %dma_start3A = arith.constant 0 : i32
    %dma_start3A_3 = arith.constant 0 : i32
    %dma_start3A_4 = arith.constant 0 : i32
    %dma_start3A_5 = arith.constant 0 : i32
    %dma_start3A_6 = tpu.memref_slice %arg9[%dma_start3A_3, %dma_start3A_4, %dma_start3A_5] : memref<4x128x64xf32, #tpu.memory_space<vmem>> -> memref<1x128x64xf32, #tpu.memory_space<vmem>>
    %dma_start3A_7 = tpu.memref_squeeze %dma_start3A_6 : memref<1x128x64xf32, #tpu.memory_space<vmem>> -> memref<128x64xf32, #tpu.memory_space<vmem>>
    %dma_start3A_8 = arith.constant 0 : i32
    %dma_start3A_9 = tpu.memref_slice %arg7[%dma_start3A, %dma_start3A_8] : memref<4x128xi32, #tpu.memory_space<vmem>> -> memref<1x128xi32, #tpu.memory_space<vmem>>
    %dma_start3A_10 = tpu.memref_squeeze %dma_start3A_9 : memref<1x128xi32, #tpu.memory_space<vmem>> -> memref<128xi32, #tpu.memory_space<vmem>>
    %dma_start3A_11 = arith.constant 0 : i32
    %dma_start3A_12 = arith.constant 0 : i32
    %dma_start3A_13 = tpu.memref_slice %arg4[%dma_start3A_11, %dma_start3A_12] : memref<1000000x64xf32, #tpu.memory_space<hbm>> -> memref<1000000x64xf32, #tpu.memory_space<hbm>>
    tpu.enqueue_indirect_dma source(%dma_start3A_13 : memref<1000000x64xf32, #tpu.memory_space<hbm>>) target(%dma_start3A_7 : memref<128x64xf32, #tpu.memory_space<vmem>>) offsets(%dma_start3A_10 : memref<128xi32, #tpu.memory_space<vmem>>) semaphore(%arg14 : memref<!tpu.dma_semaphore, #tpu.memory_space<semaphore_mem>>)
    %dma_start3A_14 = arith.constant 0 : i32
    %dma_start3A_15 = arith.constant 0 : i32
    %dma_start3A_16 = arith.constant 0 : i32
    %dma_start3A_17 = arith.constant 0 : i32
    %dma_start3A_18 = tpu.memref_slice %arg10[%dma_start3A_15, %dma_start3A_16, %dma_start3A_17] : memref<4x128x64xf32, #tpu.memory_space<vmem>> -> memref<1x128x64xf32, #tpu.memory_space<vmem>>
    %dma_start3A_19 = tpu.memref_squeeze %dma_start3A_18 : memref<1x128x64xf32, #tpu.memory_space<vmem>> -> memref<128x64xf32, #tpu.memory_space<vmem>>
    %dma_start3A_20 = arith.constant 0 : i32
    %dma_start3A_21 = tpu.memref_slice %arg8[%dma_start3A_14, %dma_start3A_20] : memref<4x128xi32, #tpu.memory_space<vmem>> -> memref<1x128xi32, #tpu.memory_space<vmem>>
    %dma_start3A_22 = tpu.memref_squeeze %dma_start3A_21 : memref<1x128xi32, #tpu.memory_space<vmem>> -> memref<128xi32, #tpu.memory_space<vmem>>
    %dma_start3A_23 = arith.constant 0 : i32
    %dma_start3A_24 = arith.constant 0 : i32
    %dma_start3A_25 = tpu.memref_slice %arg5[%dma_start3A_23, %dma_start3A_24] : memref<1000000x64xf32, #tpu.memory_space<hbm>> -> memref<1000000x64xf32, #tpu.memory_space<hbm>>
    tpu.enqueue_indirect_dma source(%dma_start3A_25 : memref<1000000x64xf32, #tpu.memory_space<hbm>>) target(%dma_start3A_19 : memref<128x64xf32, #tpu.memory_space<vmem>>) offsets(%dma_start3A_22 : memref<128xi32, #tpu.memory_space<vmem>>) semaphore(%arg14 : memref<!tpu.dma_semaphore, #tpu.memory_space<semaphore_mem>>)
    %dma_start3A_26 = arith.constant 1 : i32
    %dma_start3A_27 = arith.constant 1 : i32
    %dma_start3A_28 = arith.constant 0 : i32
    %dma_start3A_29 = arith.constant 0 : i32
    %dma_start3A_30 = tpu.memref_slice %arg9[%dma_start3A_27, %dma_start3A_28, %dma_start3A_29] : memref<4x128x64xf32, #tpu.memory_space<vmem>> -> memref<1x128x64xf32, #tpu.memory_space<vmem>>
    %dma_start3A_31 = tpu.memref_squeeze %dma_start3A_30 : memref<1x128x64xf32, #tpu.memory_space<vmem>> -> memref<128x64xf32, #tpu.memory_space<vmem>>
    %dma_start3A_32 = arith.constant 0 : i32
    %dma_start3A_33 = tpu.memref_slice %arg7[%dma_start3A_26, %dma_start3A_32] : memref<4x128xi32, #tpu.memory_space<vmem>> -> memref<1x128xi32, #tpu.memory_space<vmem>>
    %dma_start3A_34 = tpu.memref_squeeze %dma_start3A_33 : memref<1x128xi32, #tpu.memory_space<vmem>> -> memref<128xi32, #tpu.memory_space<vmem>>
    %dma_start3A_35 = arith.constant 0 : i32
    %dma_start3A_36 = arith.constant 0 : i32
    %dma_start3A_37 = tpu.memref_slice %arg4[%dma_start3A_35, %dma_start3A_36] : memref<1000000x64xf32, #tpu.memory_space<hbm>> -> memref<1000000x64xf32, #tpu.memory_space<hbm>>
    tpu.enqueue_indirect_dma source(%dma_start3A_37 : memref<1000000x64xf32, #tpu.memory_space<hbm>>) target(%dma_start3A_31 : memref<128x64xf32, #tpu.memory_space<vmem>>) offsets(%dma_start3A_34 : memref<128xi32, #tpu.memory_space<vmem>>) semaphore(%arg14 : memref<!tpu.dma_semaphore, #tpu.memory_space<semaphore_mem>>)
    %dma_start3A_38 = arith.constant 1 : i32
    %dma_start3A_39 = arith.constant 1 : i32
    %dma_start3A_40 = arith.constant 0 : i32
    %dma_start3A_41 = arith.constant 0 : i32
    %dma_start3A_42 = tpu.memref_slice %arg10[%dma_start3A_39, %dma_start3A_40, %dma_start3A_41] : memref<4x128x64xf32, #tpu.memory_space<vmem>> -> memref<1x128x64xf32, #tpu.memory_space<vmem>>
    %dma_start3A_43 = tpu.memref_squeeze %dma_start3A_42 : memref<1x128x64xf32, #tpu.memory_space<vmem>> -> memref<128x64xf32, #tpu.memory_space<vmem>>
    %dma_start3A_44 = arith.constant 0 : i32
    %dma_start3A_45 = tpu.memref_slice %arg8[%dma_start3A_38, %dma_start3A_44] : memref<4x128xi32, #tpu.memory_space<vmem>> -> memref<1x128xi32, #tpu.memory_space<vmem>>
    %dma_start3A_46 = tpu.memref_squeeze %dma_start3A_45 : memref<1x128xi32, #tpu.memory_space<vmem>> -> memref<128xi32, #tpu.memory_space<vmem>>
    %dma_start3A_47 = arith.constant 0 : i32
    %dma_start3A_48 = arith.constant 0 : i32
    %dma_start3A_49 = tpu.memref_slice %arg5[%dma_start3A_47, %dma_start3A_48] : memref<1000000x64xf32, #tpu.memory_space<hbm>> -> memref<1000000x64xf32, #tpu.memory_space<hbm>>
    tpu.enqueue_indirect_dma source(%dma_start3A_49 : memref<1000000x64xf32, #tpu.memory_space<hbm>>) target(%dma_start3A_43 : memref<128x64xf32, #tpu.memory_space<vmem>>) offsets(%dma_start3A_46 : memref<128xi32, #tpu.memory_space<vmem>>) semaphore(%arg14 : memref<!tpu.dma_semaphore, #tpu.memory_space<semaphore_mem>>)
    %dma_start3A_50 = arith.constant 2 : i32
    %dma_start3A_51 = arith.constant 2 : i32
    %dma_start3A_52 = arith.constant 0 : i32
    %dma_start3A_53 = arith.constant 0 : i32
    %dma_start3A_54 = tpu.memref_slice %arg9[%dma_start3A_51, %dma_start3A_52, %dma_start3A_53] : memref<4x128x64xf32, #tpu.memory_space<vmem>> -> memref<1x128x64xf32, #tpu.memory_space<vmem>>
    %dma_start3A_55 = tpu.memref_squeeze %dma_start3A_54 : memref<1x128x64xf32, #tpu.memory_space<vmem>> -> memref<128x64xf32, #tpu.memory_space<vmem>>
    %dma_start3A_56 = arith.constant 0 : i32
    %dma_start3A_57 = tpu.memref_slice %arg7[%dma_start3A_50, %dma_start3A_56] : memref<4x128xi32, #tpu.memory_space<vmem>> -> memref<1x128xi32, #tpu.memory_space<vmem>>
    %dma_start3A_58 = tpu.memref_squeeze %dma_start3A_57 : memref<1x128xi32, #tpu.memory_space<vmem>> -> memref<128xi32, #tpu.memory_space<vmem>>
    %dma_start3A_59 = arith.constant 0 : i32
    %dma_start3A_60 = arith.constant 0 : i32
    %dma_start3A_61 = tpu.memref_slice %arg4[%dma_start3A_59, %dma_start3A_60] : memref<1000000x64xf32, #tpu.memory_space<hbm>> -> memref<1000000x64xf32, #tpu.memory_space<hbm>>
    tpu.enqueue_indirect_dma source(%dma_start3A_61 : memref<1000000x64xf32, #tpu.memory_space<hbm>>) target(%dma_start3A_55 : memref<128x64xf32, #tpu.memory_space<vmem>>) offsets(%dma_start3A_58 : memref<128xi32, #tpu.memory_space<vmem>>) semaphore(%arg14 : memref<!tpu.dma_semaphore, #tpu.memory_space<semaphore_mem>>)
    %dma_start3A_62 = arith.constant 2 : i32
    %dma_start3A_63 = arith.constant 2 : i32
    %dma_start3A_64 = arith.constant 0 : i32
    %dma_start3A_65 = arith.constant 0 : i32
    %dma_start3A_66 = tpu.memref_slice %arg10[%dma_start3A_63, %dma_start3A_64, %dma_start3A_65] : memref<4x128x64xf32, #tpu.memory_space<vmem>> -> memref<1x128x64xf32, #tpu.memory_space<vmem>>
    %dma_start3A_67 = tpu.memref_squeeze %dma_start3A_66 : memref<1x128x64xf32, #tpu.memory_space<vmem>> -> memref<128x64xf32, #tpu.memory_space<vmem>>
    %dma_start3A_68 = arith.constant 0 : i32
    %dma_start3A_69 = tpu.memref_slice %arg8[%dma_start3A_62, %dma_start3A_68] : memref<4x128xi32, #tpu.memory_space<vmem>> -> memref<1x128xi32, #tpu.memory_space<vmem>>
    %dma_start3A_70 = tpu.memref_squeeze %dma_start3A_69 : memref<1x128xi32, #tpu.memory_space<vmem>> -> memref<128xi32, #tpu.memory_space<vmem>>
    %dma_start3A_71 = arith.constant 0 : i32
    %dma_start3A_72 = arith.constant 0 : i32
    %dma_start3A_73 = tpu.memref_slice %arg5[%dma_start3A_71, %dma_start3A_72] : memref<1000000x64xf32, #tpu.memory_space<hbm>> -> memref<1000000x64xf32, #tpu.memory_space<hbm>>
    tpu.enqueue_indirect_dma source(%dma_start3A_73 : memref<1000000x64xf32, #tpu.memory_space<hbm>>) target(%dma_start3A_67 : memref<128x64xf32, #tpu.memory_space<vmem>>) offsets(%dma_start3A_70 : memref<128xi32, #tpu.memory_space<vmem>>) semaphore(%arg14 : memref<!tpu.dma_semaphore, #tpu.memory_space<semaphore_mem>>)
    %dma_start3A_74 = arith.constant 3 : i32
    %dma_start3A_75 = arith.constant 3 : i32
    %dma_start3A_76 = arith.constant 0 : i32
    %dma_start3A_77 = arith.constant 0 : i32
    %dma_start3A_78 = tpu.memref_slice %arg9[%dma_start3A_75, %dma_start3A_76, %dma_start3A_77] : memref<4x128x64xf32, #tpu.memory_space<vmem>> -> memref<1x128x64xf32, #tpu.memory_space<vmem>>
    %dma_start3A_79 = tpu.memref_squeeze %dma_start3A_78 : memref<1x128x64xf32, #tpu.memory_space<vmem>> -> memref<128x64xf32, #tpu.memory_space<vmem>>
    %dma_start3A_80 = arith.constant 0 : i32
    %dma_start3A_81 = tpu.memref_slice %arg7[%dma_start3A_74, %dma_start3A_80] : memref<4x128xi32, #tpu.memory_space<vmem>> -> memref<1x128xi32, #tpu.memory_space<vmem>>
    %dma_start3A_82 = tpu.memref_squeeze %dma_start3A_81 : memref<1x128xi32, #tpu.memory_space<vmem>> -> memref<128xi32, #tpu.memory_space<vmem>>
    %dma_start3A_83 = arith.constant 0 : i32
    %dma_start3A_84 = arith.constant 0 : i32
    %dma_start3A_85 = tpu.memref_slice %arg4[%dma_start3A_83, %dma_start3A_84] : memref<1000000x64xf32, #tpu.memory_space<hbm>> -> memref<1000000x64xf32, #tpu.memory_space<hbm>>
    tpu.enqueue_indirect_dma source(%dma_start3A_85 : memref<1000000x64xf32, #tpu.memory_space<hbm>>) target(%dma_start3A_79 : memref<128x64xf32, #tpu.memory_space<vmem>>) offsets(%dma_start3A_82 : memref<128xi32, #tpu.memory_space<vmem>>) semaphore(%arg14 : memref<!tpu.dma_semaphore, #tpu.memory_space<semaphore_mem>>)
    %dma_start3A_86 = arith.constant 3 : i32
    %dma_start3A_87 = arith.constant 3 : i32
    %dma_start3A_88 = arith.constant 0 : i32
    %dma_start3A_89 = arith.constant 0 : i32
    %dma_start3A_90 = tpu.memref_slice %arg10[%dma_start3A_87, %dma_start3A_88, %dma_start3A_89] : memref<4x128x64xf32, #tpu.memory_space<vmem>> -> memref<1x128x64xf32, #tpu.memory_space<vmem>>
    %dma_start3A_91 = tpu.memref_squeeze %dma_start3A_90 : memref<1x128x64xf32, #tpu.memory_space<vmem>> -> memref<128x64xf32, #tpu.memory_space<vmem>>
    %dma_start3A_92 = arith.constant 0 : i32
    %dma_start3A_93 = tpu.memref_slice %arg8[%dma_start3A_86, %dma_start3A_92] : memref<4x128xi32, #tpu.memory_space<vmem>> -> memref<1x128xi32, #tpu.memory_space<vmem>>
    %dma_start3A_94 = tpu.memref_squeeze %dma_start3A_93 : memref<1x128xi32, #tpu.memory_space<vmem>> -> memref<128xi32, #tpu.memory_space<vmem>>
    %dma_start3A_95 = arith.constant 0 : i32
    %dma_start3A_96 = arith.constant 0 : i32
    %dma_start3A_97 = tpu.memref_slice %arg5[%dma_start3A_95, %dma_start3A_96] : memref<1000000x64xf32, #tpu.memory_space<hbm>> -> memref<1000000x64xf32, #tpu.memory_space<hbm>>
    tpu.enqueue_indirect_dma source(%dma_start3A_97 : memref<1000000x64xf32, #tpu.memory_space<hbm>>) target(%dma_start3A_91 : memref<128x64xf32, #tpu.memory_space<vmem>>) offsets(%dma_start3A_94 : memref<128xi32, #tpu.memory_space<vmem>>) semaphore(%arg14 : memref<!tpu.dma_semaphore, #tpu.memory_space<semaphore_mem>>)
    %dma_wait3A = arith.constant 0 : i32
    %dma_wait3A_98 = arith.constant 0 : i32
    %dma_wait3A_99 = arith.constant 0 : i32
    %dma_wait3A_100 = arith.constant 0 : i32
    %dma_wait3A_101 = tpu.memref_slice %arg9[%dma_wait3A_98, %dma_wait3A_99, %dma_wait3A_100] : memref<4x128x64xf32, #tpu.memory_space<vmem>> -> memref<1x128x64xf32, #tpu.memory_space<vmem>>
    %dma_wait3A_102 = tpu.memref_squeeze %dma_wait3A_101 : memref<1x128x64xf32, #tpu.memory_space<vmem>> -> memref<128x64xf32, #tpu.memory_space<vmem>>
    %dma_wait3A_103 = arith.constant 0 : i32
    %dma_wait3A_104 = tpu.memref_slice %arg7[%dma_wait3A, %dma_wait3A_103] : memref<4x128xi32, #tpu.memory_space<vmem>> -> memref<1x128xi32, #tpu.memory_space<vmem>>
    %dma_wait3A_105 = tpu.memref_squeeze %dma_wait3A_104 : memref<1x128xi32, #tpu.memory_space<vmem>> -> memref<128xi32, #tpu.memory_space<vmem>>
    %dma_wait3A_106 = arith.constant 0 : i32
    %dma_wait3A_107 = arith.constant 0 : i32
    %dma_wait3A_108 = tpu.memref_slice %arg4[%dma_wait3A_106, %dma_wait3A_107] : memref<1000000x64xf32, #tpu.memory_space<hbm>> -> memref<1000000x64xf32, #tpu.memory_space<hbm>>
    tpu.wait_indirect_dma semaphore(%arg14 : memref<!tpu.dma_semaphore, #tpu.memory_space<semaphore_mem>>) src(%dma_wait3A_108 : memref<1000000x64xf32, #tpu.memory_space<hbm>>) dst(%dma_wait3A_102 : memref<128x64xf32, #tpu.memory_space<vmem>>)
    %dma_wait3A_109 = arith.constant 0 : i32
    %dma_wait3A_110 = arith.constant 0 : i32
    %dma_wait3A_111 = arith.constant 0 : i32
    %dma_wait3A_112 = arith.constant 0 : i32
    %dma_wait3A_113 = tpu.memref_slice %arg10[%dma_wait3A_110, %dma_wait3A_111, %dma_wait3A_112] : memref<4x128x64xf32, #tpu.memory_space<vmem>> -> memref<1x128x64xf32, #tpu.memory_space<vmem>>
    %dma_wait3A_114 = tpu.memref_squeeze %dma_wait3A_113 : memref<1x128x64xf32, #tpu.memory_space<vmem>> -> memref<128x64xf32, #tpu.memory_space<vmem>>
    %dma_wait3A_115 = arith.constant 0 : i32
    %dma_wait3A_116 = tpu.memref_slice %arg8[%dma_wait3A_109, %dma_wait3A_115] : memref<4x128xi32, #tpu.memory_space<vmem>> -> memref<1x128xi32, #tpu.memory_space<vmem>>
    %dma_wait3A_117 = tpu.memref_squeeze %dma_wait3A_116 : memref<1x128xi32, #tpu.memory_space<vmem>> -> memref<128xi32, #tpu.memory_space<vmem>>
    %dma_wait3A_118 = arith.constant 0 : i32
    %dma_wait3A_119 = arith.constant 0 : i32
    %dma_wait3A_120 = tpu.memref_slice %arg5[%dma_wait3A_118, %dma_wait3A_119] : memref<1000000x64xf32, #tpu.memory_space<hbm>> -> memref<1000000x64xf32, #tpu.memory_space<hbm>>
    tpu.wait_indirect_dma semaphore(%arg14 : memref<!tpu.dma_semaphore, #tpu.memory_space<semaphore_mem>>) src(%dma_wait3A_120 : memref<1000000x64xf32, #tpu.memory_space<hbm>>) dst(%dma_wait3A_114 : memref<128x64xf32, #tpu.memory_space<vmem>>)
    %dma_wait3A_121 = arith.constant 1 : i32
    %dma_wait3A_122 = arith.constant 1 : i32
    %dma_wait3A_123 = arith.constant 0 : i32
    %dma_wait3A_124 = arith.constant 0 : i32
    %dma_wait3A_125 = tpu.memref_slice %arg9[%dma_wait3A_122, %dma_wait3A_123, %dma_wait3A_124] : memref<4x128x64xf32, #tpu.memory_space<vmem>> -> memref<1x128x64xf32, #tpu.memory_space<vmem>>
    %dma_wait3A_126 = tpu.memref_squeeze %dma_wait3A_125 : memref<1x128x64xf32, #tpu.memory_space<vmem>> -> memref<128x64xf32, #tpu.memory_space<vmem>>
    %dma_wait3A_127 = arith.constant 0 : i32
    %dma_wait3A_128 = tpu.memref_slice %arg7[%dma_wait3A_121, %dma_wait3A_127] : memref<4x128xi32, #tpu.memory_space<vmem>> -> memref<1x128xi32, #tpu.memory_space<vmem>>
    %dma_wait3A_129 = tpu.memref_squeeze %dma_wait3A_128 : memref<1x128xi32, #tpu.memory_space<vmem>> -> memref<128xi32, #tpu.memory_space<vmem>>
    %dma_wait3A_130 = arith.constant 0 : i32
    %dma_wait3A_131 = arith.constant 0 : i32
    %dma_wait3A_132 = tpu.memref_slice %arg4[%dma_wait3A_130, %dma_wait3A_131] : memref<1000000x64xf32, #tpu.memory_space<hbm>> -> memref<1000000x64xf32, #tpu.memory_space<hbm>>
    tpu.wait_indirect_dma semaphore(%arg14 : memref<!tpu.dma_semaphore, #tpu.memory_space<semaphore_mem>>) src(%dma_wait3A_132 : memref<1000000x64xf32, #tpu.memory_space<hbm>>) dst(%dma_wait3A_126 : memref<128x64xf32, #tpu.memory_space<vmem>>)
    %dma_wait3A_133 = arith.constant 1 : i32
    %dma_wait3A_134 = arith.constant 1 : i32
    %dma_wait3A_135 = arith.constant 0 : i32
    %dma_wait3A_136 = arith.constant 0 : i32
    %dma_wait3A_137 = tpu.memref_slice %arg10[%dma_wait3A_134, %dma_wait3A_135, %dma_wait3A_136] : memref<4x128x64xf32, #tpu.memory_space<vmem>> -> memref<1x128x64xf32, #tpu.memory_space<vmem>>
    %dma_wait3A_138 = tpu.memref_squeeze %dma_wait3A_137 : memref<1x128x64xf32, #tpu.memory_space<vmem>> -> memref<128x64xf32, #tpu.memory_space<vmem>>
    %dma_wait3A_139 = arith.constant 0 : i32
    %dma_wait3A_140 = tpu.memref_slice %arg8[%dma_wait3A_133, %dma_wait3A_139] : memref<4x128xi32, #tpu.memory_space<vmem>> -> memref<1x128xi32, #tpu.memory_space<vmem>>
    %dma_wait3A_141 = tpu.memref_squeeze %dma_wait3A_140 : memref<1x128xi32, #tpu.memory_space<vmem>> -> memref<128xi32, #tpu.memory_space<vmem>>
    %dma_wait3A_142 = arith.constant 0 : i32
    %dma_wait3A_143 = arith.constant 0 : i32
    %dma_wait3A_144 = tpu.memref_slice %arg5[%dma_wait3A_142, %dma_wait3A_143] : memref<1000000x64xf32, #tpu.memory_space<hbm>> -> memref<1000000x64xf32, #tpu.memory_space<hbm>>
    tpu.wait_indirect_dma semaphore(%arg14 : memref<!tpu.dma_semaphore, #tpu.memory_space<semaphore_mem>>) src(%dma_wait3A_144 : memref<1000000x64xf32, #tpu.memory_space<hbm>>) dst(%dma_wait3A_138 : memref<128x64xf32, #tpu.memory_space<vmem>>)
    %dma_wait3A_145 = arith.constant 2 : i32
    %dma_wait3A_146 = arith.constant 2 : i32
    %dma_wait3A_147 = arith.constant 0 : i32
    %dma_wait3A_148 = arith.constant 0 : i32
    %dma_wait3A_149 = tpu.memref_slice %arg9[%dma_wait3A_146, %dma_wait3A_147, %dma_wait3A_148] : memref<4x128x64xf32, #tpu.memory_space<vmem>> -> memref<1x128x64xf32, #tpu.memory_space<vmem>>
    %dma_wait3A_150 = tpu.memref_squeeze %dma_wait3A_149 : memref<1x128x64xf32, #tpu.memory_space<vmem>> -> memref<128x64xf32, #tpu.memory_space<vmem>>
    %dma_wait3A_151 = arith.constant 0 : i32
    %dma_wait3A_152 = tpu.memref_slice %arg7[%dma_wait3A_145, %dma_wait3A_151] : memref<4x128xi32, #tpu.memory_space<vmem>> -> memref<1x128xi32, #tpu.memory_space<vmem>>
    %dma_wait3A_153 = tpu.memref_squeeze %dma_wait3A_152 : memref<1x128xi32, #tpu.memory_space<vmem>> -> memref<128xi32, #tpu.memory_space<vmem>>
    %dma_wait3A_154 = arith.constant 0 : i32
    %dma_wait3A_155 = arith.constant 0 : i32
    %dma_wait3A_156 = tpu.memref_slice %arg4[%dma_wait3A_154, %dma_wait3A_155] : memref<1000000x64xf32, #tpu.memory_space<hbm>> -> memref<1000000x64xf32, #tpu.memory_space<hbm>>
    tpu.wait_indirect_dma semaphore(%arg14 : memref<!tpu.dma_semaphore, #tpu.memory_space<semaphore_mem>>) src(%dma_wait3A_156 : memref<1000000x64xf32, #tpu.memory_space<hbm>>) dst(%dma_wait3A_150 : memref<128x64xf32, #tpu.memory_space<vmem>>)
    %dma_wait3A_157 = arith.constant 2 : i32
    %dma_wait3A_158 = arith.constant 2 : i32
    %dma_wait3A_159 = arith.constant 0 : i32
    %dma_wait3A_160 = arith.constant 0 : i32
    %dma_wait3A_161 = tpu.memref_slice %arg10[%dma_wait3A_158, %dma_wait3A_159, %dma_wait3A_160] : memref<4x128x64xf32, #tpu.memory_space<vmem>> -> memref<1x128x64xf32, #tpu.memory_space<vmem>>
    %dma_wait3A_162 = tpu.memref_squeeze %dma_wait3A_161 : memref<1x128x64xf32, #tpu.memory_space<vmem>> -> memref<128x64xf32, #tpu.memory_space<vmem>>
    %dma_wait3A_163 = arith.constant 0 : i32
    %dma_wait3A_164 = tpu.memref_slice %arg8[%dma_wait3A_157, %dma_wait3A_163] : memref<4x128xi32, #tpu.memory_space<vmem>> -> memref<1x128xi32, #tpu.memory_space<vmem>>
    %dma_wait3A_165 = tpu.memref_squeeze %dma_wait3A_164 : memref<1x128xi32, #tpu.memory_space<vmem>> -> memref<128xi32, #tpu.memory_space<vmem>>
    %dma_wait3A_166 = arith.constant 0 : i32
    %dma_wait3A_167 = arith.constant 0 : i32
    %dma_wait3A_168 = tpu.memref_slice %arg5[%dma_wait3A_166, %dma_wait3A_167] : memref<1000000x64xf32, #tpu.memory_space<hbm>> -> memref<1000000x64xf32, #tpu.memory_space<hbm>>
    tpu.wait_indirect_dma semaphore(%arg14 : memref<!tpu.dma_semaphore, #tpu.memory_space<semaphore_mem>>) src(%dma_wait3A_168 : memref<1000000x64xf32, #tpu.memory_space<hbm>>) dst(%dma_wait3A_162 : memref<128x64xf32, #tpu.memory_space<vmem>>)
    %dma_wait3A_169 = arith.constant 3 : i32
    %dma_wait3A_170 = arith.constant 3 : i32
    %dma_wait3A_171 = arith.constant 0 : i32
    %dma_wait3A_172 = arith.constant 0 : i32
    %dma_wait3A_173 = tpu.memref_slice %arg9[%dma_wait3A_170, %dma_wait3A_171, %dma_wait3A_172] : memref<4x128x64xf32, #tpu.memory_space<vmem>> -> memref<1x128x64xf32, #tpu.memory_space<vmem>>
    %dma_wait3A_174 = tpu.memref_squeeze %dma_wait3A_173 : memref<1x128x64xf32, #tpu.memory_space<vmem>> -> memref<128x64xf32, #tpu.memory_space<vmem>>
    %dma_wait3A_175 = arith.constant 0 : i32
    %dma_wait3A_176 = tpu.memref_slice %arg7[%dma_wait3A_169, %dma_wait3A_175] : memref<4x128xi32, #tpu.memory_space<vmem>> -> memref<1x128xi32, #tpu.memory_space<vmem>>
    %dma_wait3A_177 = tpu.memref_squeeze %dma_wait3A_176 : memref<1x128xi32, #tpu.memory_space<vmem>> -> memref<128xi32, #tpu.memory_space<vmem>>
    %dma_wait3A_178 = arith.constant 0 : i32
    %dma_wait3A_179 = arith.constant 0 : i32
    %dma_wait3A_180 = tpu.memref_slice %arg4[%dma_wait3A_178, %dma_wait3A_179] : memref<1000000x64xf32, #tpu.memory_space<hbm>> -> memref<1000000x64xf32, #tpu.memory_space<hbm>>
    tpu.wait_indirect_dma semaphore(%arg14 : memref<!tpu.dma_semaphore, #tpu.memory_space<semaphore_mem>>) src(%dma_wait3A_180 : memref<1000000x64xf32, #tpu.memory_space<hbm>>) dst(%dma_wait3A_174 : memref<128x64xf32, #tpu.memory_space<vmem>>)
    %dma_wait3A_181 = arith.constant 3 : i32
    %dma_wait3A_182 = arith.constant 3 : i32
    %dma_wait3A_183 = arith.constant 0 : i32
    %dma_wait3A_184 = arith.constant 0 : i32
    %dma_wait3A_185 = tpu.memref_slice %arg10[%dma_wait3A_182, %dma_wait3A_183, %dma_wait3A_184] : memref<4x128x64xf32, #tpu.memory_space<vmem>> -> memref<1x128x64xf32, #tpu.memory_space<vmem>>
    %dma_wait3A_186 = tpu.memref_squeeze %dma_wait3A_185 : memref<1x128x64xf32, #tpu.memory_space<vmem>> -> memref<128x64xf32, #tpu.memory_space<vmem>>
    %dma_wait3A_187 = arith.constant 0 : i32
    %dma_wait3A_188 = tpu.memref_slice %arg8[%dma_wait3A_181, %dma_wait3A_187] : memref<4x128xi32, #tpu.memory_space<vmem>> -> memref<1x128xi32, #tpu.memory_space<vmem>>
    %dma_wait3A_189 = tpu.memref_squeeze %dma_wait3A_188 : memref<1x128xi32, #tpu.memory_space<vmem>> -> memref<128xi32, #tpu.memory_space<vmem>>
    %dma_wait3A_190 = arith.constant 0 : i32
    %dma_wait3A_191 = arith.constant 0 : i32
    %dma_wait3A_192 = tpu.memref_slice %arg5[%dma_wait3A_190, %dma_wait3A_191] : memref<1000000x64xf32, #tpu.memory_space<hbm>> -> memref<1000000x64xf32, #tpu.memory_space<hbm>>
    tpu.wait_indirect_dma semaphore(%arg14 : memref<!tpu.dma_semaphore, #tpu.memory_space<semaphore_mem>>) src(%dma_wait3A_192 : memref<1000000x64xf32, #tpu.memory_space<hbm>>) dst(%dma_wait3A_186 : memref<128x64xf32, #tpu.memory_space<vmem>>)
    %broadcast_in_dim3A = arith.constant 0.000000e+00 : f32
    %broadcast_in_dim3A_193 = vector.broadcast %broadcast_in_dim3A : f32 to vector<16xf32>
    %scan3A = arith.constant 0 : i32
    %scan3A_194 = arith.constant 128 : i32
    %scan3A_195 = arith.addi %scan3A, %scan3A_194 : i32
    %scan3A_196 = arith.constant 1 : i32
    %scan3A_197:4 = scf.for %scan3A_207 = %scan3A to %scan3A_195 step %scan3A_196 iter_args(%scan3A_208 = %broadcast_in_dim3A_193, %scan3A_209 = %broadcast_in_dim3A_193, %scan3A_210 = %broadcast_in_dim3A_193, %scan3A_211 = %broadcast_in_dim3A_193) -> (vector<16xf32>, vector<16xf32>, vector<16xf32>, vector<16xf32>)  : i32 {
      %get3A = arith.constant 0 : i32
      %get3A_212 = arith.index_cast %get3A : i32 to index
      %get3A_213 = arith.index_cast %scan3A_207 : i32 to index
      %get3A_214 = arith.constant 0 : index
      %get3A_215 = tpu.vector_load %arg9[%get3A_212, %get3A_213, %get3A_214] {strides = array<i32>} : memref<4x128x64xf32, #tpu.memory_space<vmem>>, vector<1x1x16xf32>,
      %get3A_216 = vector.shape_cast %get3A_215 : vector<1x1x16xf32> to vector<16xf32>
      %add3A_217 = arith.addf %scan3A_208, %get3A_216 : vector<16xf32>
      %get3A_218 = arith.constant 0 : i32
      %get3A_219 = arith.index_cast %get3A_218 : i32 to index
      %get3A_220 = arith.index_cast %scan3A_207 : i32 to index
      %get3A_221 = arith.constant 16 : index
      %get3A_222 = tpu.vector_load %arg9[%get3A_219, %get3A_220, %get3A_221] {strides = array<i32>} : memref<4x128x64xf32, #tpu.memory_space<vmem>>, vector<1x1x16xf32>,
      %get3A_223 = vector.shape_cast %get3A_222 : vector<1x1x16xf32> to vector<16xf32>
      %add3A_224 = arith.addf %scan3A_209, %get3A_223 : vector<16xf32>
      %get3A_225 = arith.constant 0 : i32
      %get3A_226 = arith.index_cast %get3A_225 : i32 to index
      %get3A_227 = arith.index_cast %scan3A_207 : i32 to index
      %get3A_228 = arith.constant 32 : index
      %get3A_229 = tpu.vector_load %arg9[%get3A_226, %get3A_227, %get3A_228] {strides = array<i32>} : memref<4x128x64xf32, #tpu.memory_space<vmem>>, vector<1x1x16xf32>,
      %get3A_230 = vector.shape_cast %get3A_229 : vector<1x1x16xf32> to vector<16xf32>
      %add3A_231 = arith.addf %scan3A_210, %get3A_230 : vector<16xf32>
      %get3A_232 = arith.constant 0 : i32
      %get3A_233 = arith.index_cast %get3A_232 : i32 to index
      %get3A_234 = arith.index_cast %scan3A_207 : i32 to index
      %get3A_235 = arith.constant 48 : index
      %get3A_236 = tpu.vector_load %arg9[%get3A_233, %get3A_234, %get3A_235] {strides = array<i32>} : memref<4x128x64xf32, #tpu.memory_space<vmem>>, vector<1x1x16xf32>,
      %get3A_237 = vector.shape_cast %get3A_236 : vector<1x1x16xf32> to vector<16xf32>
      %add3A_238 = arith.addf %scan3A_211, %get3A_237 : vector<16xf32>
      %get3A_239 = arith.constant 1 : i32
      %get3A_240 = arith.index_cast %get3A_239 : i32 to index
      %get3A_241 = arith.index_cast %scan3A_207 : i32 to index
      %get3A_242 = arith.constant 0 : index
      %get3A_243 = tpu.vector_load %arg9[%get3A_240, %get3A_241, %get3A_242] {strides = array<i32>} : memref<4x128x64xf32, #tpu.memory_space<vmem>>, vector<1x1x16xf32>,
      %get3A_244 = vector.shape_cast %get3A_243 : vector<1x1x16xf32> to vector<16xf32>
      %add3A_245 = arith.addf %add3A_217, %get3A_244 : vector<16xf32>
      %get3A_246 = arith.constant 1 : i32
      %get3A_247 = arith.index_cast %get3A_246 : i32 to index
      %get3A_248 = arith.index_cast %scan3A_207 : i32 to index
      %get3A_249 = arith.constant 16 : index
      %get3A_250 = tpu.vector_load %arg9[%get3A_247, %get3A_248, %get3A_249] {strides = array<i32>} : memref<4x128x64xf32, #tpu.memory_space<vmem>>, vector<1x1x16xf32>,
      %get3A_251 = vector.shape_cast %get3A_250 : vector<1x1x16xf32> to vector<16xf32>
      %add3A_252 = arith.addf %add3A_224, %get3A_251 : vector<16xf32>
      %get3A_253 = arith.constant 1 : i32
      %get3A_254 = arith.index_cast %get3A_253 : i32 to index
      %get3A_255 = arith.index_cast %scan3A_207 : i32 to index
      %get3A_256 = arith.constant 32 : index
      %get3A_257 = tpu.vector_load %arg9[%get3A_254, %get3A_255, %get3A_256] {strides = array<i32>} : memref<4x128x64xf32, #tpu.memory_space<vmem>>, vector<1x1x16xf32>,
      %get3A_258 = vector.shape_cast %get3A_257 : vector<1x1x16xf32> to vector<16xf32>
      %add3A_259 = arith.addf %add3A_231, %get3A_258 : vector<16xf32>
      %get3A_260 = arith.constant 1 : i32
      %get3A_261 = arith.index_cast %get3A_260 : i32 to index
      %get3A_262 = arith.index_cast %scan3A_207 : i32 to index
      %get3A_263 = arith.constant 48 : index
      %get3A_264 = tpu.vector_load %arg9[%get3A_261, %get3A_262, %get3A_263] {strides = array<i32>} : memref<4x128x64xf32, #tpu.memory_space<vmem>>, vector<1x1x16xf32>,
      %get3A_265 = vector.shape_cast %get3A_264 : vector<1x1x16xf32> to vector<16xf32>
      %add3A_266 = arith.addf %add3A_238, %get3A_265 : vector<16xf32>
      %get3A_267 = arith.constant 2 : i32
      %get3A_268 = arith.index_cast %get3A_267 : i32 to index
      %get3A_269 = arith.index_cast %scan3A_207 : i32 to index
      %get3A_270 = arith.constant 0 : index
      %get3A_271 = tpu.vector_load %arg9[%get3A_268, %get3A_269, %get3A_270] {strides = array<i32>} : memref<4x128x64xf32, #tpu.memory_space<vmem>>, vector<1x1x16xf32>,
      %get3A_272 = vector.shape_cast %get3A_271 : vector<1x1x16xf32> to vector<16xf32>
      %add3A_273 = arith.addf %add3A_245, %get3A_272 : vector<16xf32>
      %get3A_274 = arith.constant 2 : i32
      %get3A_275 = arith.index_cast %get3A_274 : i32 to index
      %get3A_276 = arith.index_cast %scan3A_207 : i32 to index
      %get3A_277 = arith.constant 16 : index
      %get3A_278 = tpu.vector_load %arg9[%get3A_275, %get3A_276, %get3A_277] {strides = array<i32>} : memref<4x128x64xf32, #tpu.memory_space<vmem>>, vector<1x1x16xf32>,
      %get3A_279 = vector.shape_cast %get3A_278 : vector<1x1x16xf32> to vector<16xf32>
      %add3A_280 = arith.addf %add3A_252, %get3A_279 : vector<16xf32>
      %get3A_281 = arith.constant 2 : i32
      %get3A_282 = arith.index_cast %get3A_281 : i32 to index
      %get3A_283 = arith.index_cast %scan3A_207 : i32 to index
      %get3A_284 = arith.constant 32 : index
      %get3A_285 = tpu.vector_load %arg9[%get3A_282, %get3A_283, %get3A_284] {strides = array<i32>} : memref<4x128x64xf32, #tpu.memory_space<vmem>>, vector<1x1x16xf32>,
      %get3A_286 = vector.shape_cast %get3A_285 : vector<1x1x16xf32> to vector<16xf32>
      %add3A_287 = arith.addf %add3A_259, %get3A_286 : vector<16xf32>
      %get3A_288 = arith.constant 2 : i32
      %get3A_289 = arith.index_cast %get3A_288 : i32 to index
      %get3A_290 = arith.index_cast %scan3A_207 : i32 to index
      %get3A_291 = arith.constant 48 : index
      %get3A_292 = tpu.vector_load %arg9[%get3A_289, %get3A_290, %get3A_291] {strides = array<i32>} : memref<4x128x64xf32, #tpu.memory_space<vmem>>, vector<1x1x16xf32>,
      %get3A_293 = vector.shape_cast %get3A_292 : vector<1x1x16xf32> to vector<16xf32>
      %add3A_294 = arith.addf %add3A_266, %get3A_293 : vector<16xf32>
      %get3A_295 = arith.constant 3 : i32
      %get3A_296 = arith.index_cast %get3A_295 : i32 to index
      %get3A_297 = arith.index_cast %scan3A_207 : i32 to index
      %get3A_298 = arith.constant 0 : index
      %get3A_299 = tpu.vector_load %arg9[%get3A_296, %get3A_297, %get3A_298] {strides = array<i32>} : memref<4x128x64xf32, #tpu.memory_space<vmem>>, vector<1x1x16xf32>,
      %get3A_300 = vector.shape_cast %get3A_299 : vector<1x1x16xf32> to vector<16xf32>
      %add3A_301 = arith.addf %add3A_273, %get3A_300 : vector<16xf32>
      %get3A_302 = arith.constant 3 : i32
      %get3A_303 = arith.index_cast %get3A_302 : i32 to index
      %get3A_304 = arith.index_cast %scan3A_207 : i32 to index
      %get3A_305 = arith.constant 16 : index
      %get3A_306 = tpu.vector_load %arg9[%get3A_303, %get3A_304, %get3A_305] {strides = array<i32>} : memref<4x128x64xf32, #tpu.memory_space<vmem>>, vector<1x1x16xf32>,
      %get3A_307 = vector.shape_cast %get3A_306 : vector<1x1x16xf32> to vector<16xf32>
      %add3A_308 = arith.addf %add3A_280, %get3A_307 : vector<16xf32>
      %get3A_309 = arith.constant 3 : i32
      %get3A_310 = arith.index_cast %get3A_309 : i32 to index
      %get3A_311 = arith.index_cast %scan3A_207 : i32 to index
      %get3A_312 = arith.constant 32 : index
      %get3A_313 = tpu.vector_load %arg9[%get3A_310, %get3A_311, %get3A_312] {strides = array<i32>} : memref<4x128x64xf32, #tpu.memory_space<vmem>>, vector<1x1x16xf32>,
      %get3A_314 = vector.shape_cast %get3A_313 : vector<1x1x16xf32> to vector<16xf32>
      %add3A_315 = arith.addf %add3A_287, %get3A_314 : vector<16xf32>
      %get3A_316 = arith.constant 3 : i32
      %get3A_317 = arith.index_cast %get3A_316 : i32 to index
      %get3A_318 = arith.index_cast %scan3A_207 : i32 to index
      %get3A_319 = arith.constant 48 : index
      %get3A_320 = tpu.vector_load %arg9[%get3A_317, %get3A_318, %get3A_319] {strides = array<i32>} : memref<4x128x64xf32, #tpu.memory_space<vmem>>, vector<1x1x16xf32>,
      %get3A_321 = vector.shape_cast %get3A_320 : vector<1x1x16xf32> to vector<16xf32>
      %add3A_322 = arith.addf %add3A_294, %get3A_321 : vector<16xf32>
      %get3A_323 = arith.constant 0 : i32
      %get3A_324 = arith.index_cast %get3A_323 : i32 to index
      %get3A_325 = arith.index_cast %scan3A_207 : i32 to index
      %get3A_326 = arith.constant 0 : index
      %get3A_327 = tpu.vector_load %arg10[%get3A_324, %get3A_325, %get3A_326] {strides = array<i32>} : memref<4x128x64xf32, #tpu.memory_space<vmem>>, vector<1x1x16xf32>,
      %get3A_328 = vector.shape_cast %get3A_327 : vector<1x1x16xf32> to vector<16xf32>
      %add3A_329 = arith.addf %add3A_301, %get3A_328 : vector<16xf32>
      %get3A_330 = arith.constant 0 : i32
      %get3A_331 = arith.index_cast %get3A_330 : i32 to index
      %get3A_332 = arith.index_cast %scan3A_207 : i32 to index
      %get3A_333 = arith.constant 16 : index
      %get3A_334 = tpu.vector_load %arg10[%get3A_331, %get3A_332, %get3A_333] {strides = array<i32>} : memref<4x128x64xf32, #tpu.memory_space<vmem>>, vector<1x1x16xf32>,
      %get3A_335 = vector.shape_cast %get3A_334 : vector<1x1x16xf32> to vector<16xf32>
      %add3A_336 = arith.addf %add3A_308, %get3A_335 : vector<16xf32>
      %get3A_337 = arith.constant 0 : i32
      %get3A_338 = arith.index_cast %get3A_337 : i32 to index
      %get3A_339 = arith.index_cast %scan3A_207 : i32 to index
      %get3A_340 = arith.constant 32 : index
      %get3A_341 = tpu.vector_load %arg10[%get3A_338, %get3A_339, %get3A_340] {strides = array<i32>} : memref<4x128x64xf32, #tpu.memory_space<vmem>>, vector<1x1x16xf32>,
      %get3A_342 = vector.shape_cast %get3A_341 : vector<1x1x16xf32> to vector<16xf32>
      %add3A_343 = arith.addf %add3A_315, %get3A_342 : vector<16xf32>
      %get3A_344 = arith.constant 0 : i32
      %get3A_345 = arith.index_cast %get3A_344 : i32 to index
      %get3A_346 = arith.index_cast %scan3A_207 : i32 to index
      %get3A_347 = arith.constant 48 : index
      %get3A_348 = tpu.vector_load %arg10[%get3A_345, %get3A_346, %get3A_347] {strides = array<i32>} : memref<4x128x64xf32, #tpu.memory_space<vmem>>, vector<1x1x16xf32>,
      %get3A_349 = vector.shape_cast %get3A_348 : vector<1x1x16xf32> to vector<16xf32>
      %add3A_350 = arith.addf %add3A_322, %get3A_349 : vector<16xf32>
      %get3A_351 = arith.constant 1 : i32
      %get3A_352 = arith.index_cast %get3A_351 : i32 to index
      %get3A_353 = arith.index_cast %scan3A_207 : i32 to index
      %get3A_354 = arith.constant 0 : index
      %get3A_355 = tpu.vector_load %arg10[%get3A_352, %get3A_353, %get3A_354] {strides = array<i32>} : memref<4x128x64xf32, #tpu.memory_space<vmem>>, vector<1x1x16xf32>,
      %get3A_356 = vector.shape_cast %get3A_355 : vector<1x1x16xf32> to vector<16xf32>
      %add3A_357 = arith.addf %add3A_329, %get3A_356 : vector<16xf32>
      %get3A_358 = arith.constant 1 : i32
      %get3A_359 = arith.index_cast %get3A_358 : i32 to index
      %get3A_360 = arith.index_cast %scan3A_207 : i32 to index
      %get3A_361 = arith.constant 16 : index
      %get3A_362 = tpu.vector_load %arg10[%get3A_359, %get3A_360, %get3A_361] {strides = array<i32>} : memref<4x128x64xf32, #tpu.memory_space<vmem>>, vector<1x1x16xf32>,
      %get3A_363 = vector.shape_cast %get3A_362 : vector<1x1x16xf32> to vector<16xf32>
      %add3A_364 = arith.addf %add3A_336, %get3A_363 : vector<16xf32>
      %get3A_365 = arith.constant 1 : i32
      %get3A_366 = arith.index_cast %get3A_365 : i32 to index
      %get3A_367 = arith.index_cast %scan3A_207 : i32 to index
      %get3A_368 = arith.constant 32 : index
      %get3A_369 = tpu.vector_load %arg10[%get3A_366, %get3A_367, %get3A_368] {strides = array<i32>} : memref<4x128x64xf32, #tpu.memory_space<vmem>>, vector<1x1x16xf32>,
      %get3A_370 = vector.shape_cast %get3A_369 : vector<1x1x16xf32> to vector<16xf32>
      %add3A_371 = arith.addf %add3A_343, %get3A_370 : vector<16xf32>
      %get3A_372 = arith.constant 1 : i32
      %get3A_373 = arith.index_cast %get3A_372 : i32 to index
      %get3A_374 = arith.index_cast %scan3A_207 : i32 to index
      %get3A_375 = arith.constant 48 : index
      %get3A_376 = tpu.vector_load %arg10[%get3A_373, %get3A_374, %get3A_375] {strides = array<i32>} : memref<4x128x64xf32, #tpu.memory_space<vmem>>, vector<1x1x16xf32>,
      %get3A_377 = vector.shape_cast %get3A_376 : vector<1x1x16xf32> to vector<16xf32>
      %add3A_378 = arith.addf %add3A_350, %get3A_377 : vector<16xf32>
      %get3A_379 = arith.constant 2 : i32
      %get3A_380 = arith.index_cast %get3A_379 : i32 to index
      %get3A_381 = arith.index_cast %scan3A_207 : i32 to index
      %get3A_382 = arith.constant 0 : index
      %get3A_383 = tpu.vector_load %arg10[%get3A_380, %get3A_381, %get3A_382] {strides = array<i32>} : memref<4x128x64xf32, #tpu.memory_space<vmem>>, vector<1x1x16xf32>,
      %get3A_384 = vector.shape_cast %get3A_383 : vector<1x1x16xf32> to vector<16xf32>
      %add3A_385 = arith.addf %add3A_357, %get3A_384 : vector<16xf32>
      %get3A_386 = arith.constant 2 : i32
      %get3A_387 = arith.index_cast %get3A_386 : i32 to index
      %get3A_388 = arith.index_cast %scan3A_207 : i32 to index
      %get3A_389 = arith.constant 16 : index
      %get3A_390 = tpu.vector_load %arg10[%get3A_387, %get3A_388, %get3A_389] {strides = array<i32>} : memref<4x128x64xf32, #tpu.memory_space<vmem>>, vector<1x1x16xf32>,
      %get3A_391 = vector.shape_cast %get3A_390 : vector<1x1x16xf32> to vector<16xf32>
      %add3A_392 = arith.addf %add3A_364, %get3A_391 : vector<16xf32>
      %get3A_393 = arith.constant 2 : i32
      %get3A_394 = arith.index_cast %get3A_393 : i32 to index
      %get3A_395 = arith.index_cast %scan3A_207 : i32 to index
      %get3A_396 = arith.constant 32 : index
      %get3A_397 = tpu.vector_load %arg10[%get3A_394, %get3A_395, %get3A_396] {strides = array<i32>} : memref<4x128x64xf32, #tpu.memory_space<vmem>>, vector<1x1x16xf32>,
      %get3A_398 = vector.shape_cast %get3A_397 : vector<1x1x16xf32> to vector<16xf32>
      %add3A_399 = arith.addf %add3A_371, %get3A_398 : vector<16xf32>
      %get3A_400 = arith.constant 2 : i32
      %get3A_401 = arith.index_cast %get3A_400 : i32 to index
      %get3A_402 = arith.index_cast %scan3A_207 : i32 to index
      %get3A_403 = arith.constant 48 : index
      %get3A_404 = tpu.vector_load %arg10[%get3A_401, %get3A_402, %get3A_403] {strides = array<i32>} : memref<4x128x64xf32, #tpu.memory_space<vmem>>, vector<1x1x16xf32>,
      %get3A_405 = vector.shape_cast %get3A_404 : vector<1x1x16xf32> to vector<16xf32>
      %add3A_406 = arith.addf %add3A_378, %get3A_405 : vector<16xf32>
      %get3A_407 = arith.constant 3 : i32
      %get3A_408 = arith.index_cast %get3A_407 : i32 to index
      %get3A_409 = arith.index_cast %scan3A_207 : i32 to index
      %get3A_410 = arith.constant 0 : index
      %get3A_411 = tpu.vector_load %arg10[%get3A_408, %get3A_409, %get3A_410] {strides = array<i32>} : memref<4x128x64xf32, #tpu.memory_space<vmem>>, vector<1x1x16xf32>,
      %get3A_412 = vector.shape_cast %get3A_411 : vector<1x1x16xf32> to vector<16xf32>
      %add3A_413 = arith.addf %add3A_385, %get3A_412 : vector<16xf32>
      %get3A_414 = arith.constant 3 : i32
      %get3A_415 = arith.index_cast %get3A_414 : i32 to index
      %get3A_416 = arith.index_cast %scan3A_207 : i32 to index
      %get3A_417 = arith.constant 16 : index
      %get3A_418 = tpu.vector_load %arg10[%get3A_415, %get3A_416, %get3A_417] {strides = array<i32>} : memref<4x128x64xf32, #tpu.memory_space<vmem>>, vector<1x1x16xf32>,
      %get3A_419 = vector.shape_cast %get3A_418 : vector<1x1x16xf32> to vector<16xf32>
      %add3A_420 = arith.addf %add3A_392, %get3A_419 : vector<16xf32>
      %get3A_421 = arith.constant 3 : i32
      %get3A_422 = arith.index_cast %get3A_421 : i32 to index
      %get3A_423 = arith.index_cast %scan3A_207 : i32 to index
      %get3A_424 = arith.constant 32 : index
      %get3A_425 = tpu.vector_load %arg10[%get3A_422, %get3A_423, %get3A_424] {strides = array<i32>} : memref<4x128x64xf32, #tpu.memory_space<vmem>>, vector<1x1x16xf32>,
      %get3A_426 = vector.shape_cast %get3A_425 : vector<1x1x16xf32> to vector<16xf32>
      %add3A_427 = arith.addf %add3A_399, %get3A_426 : vector<16xf32>
      %get3A_428 = arith.constant 3 : i32
      %get3A_429 = arith.index_cast %get3A_428 : i32 to index
      %get3A_430 = arith.index_cast %scan3A_207 : i32 to index
      %get3A_431 = arith.constant 48 : index
      %get3A_432 = tpu.vector_load %arg10[%get3A_429, %get3A_430, %get3A_431] {strides = array<i32>} : memref<4x128x64xf32, #tpu.memory_space<vmem>>, vector<1x1x16xf32>,
      %get3A_433 = vector.shape_cast %get3A_432 : vector<1x1x16xf32> to vector<16xf32>
      %add3A_434 = arith.addf %add3A_406, %get3A_433 : vector<16xf32>
      scf.yield %add3A_413, %add3A_420, %add3A_427, %add3A_434 : vector<16xf32>, vector<16xf32>, vector<16xf32>, vector<16xf32>
    }
    %scan3A_198 = arith.constant 128 : i32
    %add3A_199 = arith.addf %scan3A_197#0, %scan3A_197#1 : vector<16xf32>
    %add3A_200 = arith.addf %scan3A_197#2, %scan3A_197#3 : vector<16xf32>
    %add3A_201 = arith.addf %add3A_199, %add3A_200 : vector<16xf32>
    %swap3A = arith.constant 0 : index
    %swap3A_202 = tpu.vector_load %arg11[%swap3A] {strides = array<i32>} : memref<16xf32, #tpu.memory_space<vmem>>, vector<16xf32>,
    %swap3A_203 = vector.shape_cast %swap3A_202 : vector<16xf32> to vector<16xf32>
    %swap3A_204 = vector.shape_cast %add3A_201 : vector<16xf32> to vector<16xf32>
    tpu.vector_store %arg11[%swap3A], %swap3A_204 {strides = array<i32>} : memref<16xf32, #tpu.memory_space<vmem>>, vector<16xf32>,
    "tpu.region"() ({
      %run_scoped3A = tpu.sem_alloc : memref<!tpu.dma_semaphore, #tpu.memory_space<semaphore_mem>>
      %dma_start3A_207 = arith.constant 0 : i32
      %dma_start3A_208 = tpu.memref_slice %arg12[%arg1, %dma_start3A_207] : memref<16x16xf32, #tpu.memory_space<vmem_shared>> -> memref<1x16xf32, #tpu.memory_space<vmem_shared>>
      %dma_start3A_209 = tpu.memref_squeeze %dma_start3A_208 : memref<1x16xf32, #tpu.memory_space<vmem_shared>> -> memref<16xf32, #tpu.memory_space<vmem_shared>>
      %dma_start3A_210 = arith.constant 0 : i32
      %dma_start3A_211 = tpu.memref_slice %arg12[%arg1, %dma_start3A_210] : memref<16x16xf32, #tpu.memory_space<vmem_shared>> -> memref<1x16xf32, #tpu.memory_space<vmem_shared>>
      %dma_start3A_212 = tpu.memref_squeeze %dma_start3A_211 : memref<1x16xf32, #tpu.memory_space<vmem_shared>> -> memref<16xf32, #tpu.memory_space<vmem_shared>>
      tpu.enqueue_dma source(%arg11 : memref<16xf32, #tpu.memory_space<vmem>>) target(%dma_start3A_212 : memref<16xf32, #tpu.memory_space<vmem_shared>>) target_semaphore(%run_scoped3A : memref<!tpu.dma_semaphore, #tpu.memory_space<semaphore_mem>>)
      %dma_wait3A_213 = arith.constant 0 : i32
      %dma_wait3A_214 = tpu.memref_slice %arg12[%arg1, %dma_wait3A_213] : memref<16x16xf32, #tpu.memory_space<vmem_shared>> -> memref<1x16xf32, #tpu.memory_space<vmem_shared>>
      %dma_wait3A_215 = tpu.memref_squeeze %dma_wait3A_214 : memref<1x16xf32, #tpu.memory_space<vmem_shared>> -> memref<16xf32, #tpu.memory_space<vmem_shared>>
      %dma_wait3A_216 = arith.constant 0 : i32
      %dma_wait3A_217 = tpu.memref_slice %arg12[%arg1, %dma_wait3A_216] : memref<16x16xf32, #tpu.memory_space<vmem_shared>> -> memref<1x16xf32, #tpu.memory_space<vmem_shared>>
      %dma_wait3A_218 = tpu.memref_squeeze %dma_wait3A_217 : memref<1x16xf32, #tpu.memory_space<vmem_shared>> -> memref<16xf32, #tpu.memory_space<vmem_shared>>
      tpu.wait_dma2 semaphore(%run_scoped3A : memref<!tpu.dma_semaphore, #tpu.memory_space<semaphore_mem>>) src(%arg11 : memref<16xf32, #tpu.memory_space<vmem>>) dst(%dma_wait3A_218 : memref<16xf32, #tpu.memory_space<vmem_shared>>)
      tpu.yield
    }) : () -> ()
    %barrier3A = arith.constant 0 : index
    tpu.barrier barrier_id(%barrier3A)
    %eq3A = arith.constant 0 : i32
    %eq3A_205 = arith.cmpi eq, %arg1, %eq3A : i32
    %convert_element_type3A = arith.extui %eq3A_205 : i1 to i32
    %cond3A = arith.constant 0 : i32
    %cond3A_206 = arith.cmpi ne, %convert_element_type3A, %cond3A : i32
    scf.if %cond3A_206 {
      "tpu.region"() ({
        %run_scoped3A = tpu.sem_alloc : memref<!tpu.dma_semaphore, #tpu.memory_space<semaphore_mem>>
        tpu.enqueue_dma source(%arg12 : memref<16x16xf32, #tpu.memory_space<vmem_shared>>) target(%arg13 : memref<16x16xf32, #tpu.memory_space<vmem>>) target_semaphore(%run_scoped3A : memref<!tpu.dma_semaphore, #tpu.memory_space<semaphore_mem>>)
        tpu.wait_dma2 semaphore(%run_scoped3A : memref<!tpu.dma_semaphore, #tpu.memory_space<semaphore_mem>>) src(%arg12 : memref<16x16xf32, #tpu.memory_space<vmem_shared>>) dst(%arg13 : memref<16x16xf32, #tpu.memory_space<vmem>>)
        tpu.yield
      }) : () -> ()
      %get3A = arith.constant 0 : i32
      %get3A_207 = arith.index_cast %get3A : i32 to index
      %get3A_208 = arith.constant 0 : index
      %get3A_209 = tpu.vector_load %arg13[%get3A_207, %get3A_208] {strides = array<i32>} : memref<16x16xf32, #tpu.memory_space<vmem>>, vector<1x16xf32>,
      %get3A_210 = vector.shape_cast %get3A_209 : vector<1x16xf32> to vector<16xf32>
      %get3A_211 = arith.constant 1 : i32
      %get3A_212 = arith.index_cast %get3A_211 : i32 to index
      %get3A_213 = arith.constant 0 : index
      %get3A_214 = tpu.vector_load %arg13[%get3A_212, %get3A_213] {strides = array<i32>} : memref<16x16xf32, #tpu.memory_space<vmem>>, vector<1x16xf32>,
      %get3A_215 = vector.shape_cast %get3A_214 : vector<1x16xf32> to vector<16xf32>
      %add3A_216 = arith.addf %get3A_210, %get3A_215 : vector<16xf32>
      %get3A_217 = arith.constant 2 : i32
      %get3A_218 = arith.index_cast %get3A_217 : i32 to index
      %get3A_219 = arith.constant 0 : index
      %get3A_220 = tpu.vector_load %arg13[%get3A_218, %get3A_219] {strides = array<i32>} : memref<16x16xf32, #tpu.memory_space<vmem>>, vector<1x16xf32>,
      %get3A_221 = vector.shape_cast %get3A_220 : vector<1x16xf32> to vector<16xf32>
      %add3A_222 = arith.addf %add3A_216, %get3A_221 : vector<16xf32>
      %get3A_223 = arith.constant 3 : i32
      %get3A_224 = arith.index_cast %get3A_223 : i32 to index
      %get3A_225 = arith.constant 0 : index
      %get3A_226 = tpu.vector_load %arg13[%get3A_224, %get3A_225] {strides = array<i32>} : memref<16x16xf32, #tpu.memory_space<vmem>>, vector<1x16xf32>,
      %get3A_227 = vector.shape_cast %get3A_226 : vector<1x16xf32> to vector<16xf32>
      %add3A_228 = arith.addf %add3A_222, %get3A_227 : vector<16xf32>
      %get3A_229 = arith.constant 4 : i32
      %get3A_230 = arith.index_cast %get3A_229 : i32 to index
      %get3A_231 = arith.constant 0 : index
      %get3A_232 = tpu.vector_load %arg13[%get3A_230, %get3A_231] {strides = array<i32>} : memref<16x16xf32, #tpu.memory_space<vmem>>, vector<1x16xf32>,
      %get3A_233 = vector.shape_cast %get3A_232 : vector<1x16xf32> to vector<16xf32>
      %add3A_234 = arith.addf %add3A_228, %get3A_233 : vector<16xf32>
      %get3A_235 = arith.constant 5 : i32
      %get3A_236 = arith.index_cast %get3A_235 : i32 to index
      %get3A_237 = arith.constant 0 : index
      %get3A_238 = tpu.vector_load %arg13[%get3A_236, %get3A_237] {strides = array<i32>} : memref<16x16xf32, #tpu.memory_space<vmem>>, vector<1x16xf32>,
      %get3A_239 = vector.shape_cast %get3A_238 : vector<1x16xf32> to vector<16xf32>
      %add3A_240 = arith.addf %add3A_234, %get3A_239 : vector<16xf32>
      %get3A_241 = arith.constant 6 : i32
      %get3A_242 = arith.index_cast %get3A_241 : i32 to index
      %get3A_243 = arith.constant 0 : index
      %get3A_244 = tpu.vector_load %arg13[%get3A_242, %get3A_243] {strides = array<i32>} : memref<16x16xf32, #tpu.memory_space<vmem>>, vector<1x16xf32>,
      %get3A_245 = vector.shape_cast %get3A_244 : vector<1x16xf32> to vector<16xf32>
      %add3A_246 = arith.addf %add3A_240, %get3A_245 : vector<16xf32>
      %get3A_247 = arith.constant 7 : i32
      %get3A_248 = arith.index_cast %get3A_247 : i32 to index
      %get3A_249 = arith.constant 0 : index
      %get3A_250 = tpu.vector_load %arg13[%get3A_248, %get3A_249] {strides = array<i32>} : memref<16x16xf32, #tpu.memory_space<vmem>>, vector<1x16xf32>,
      %get3A_251 = vector.shape_cast %get3A_250 : vector<1x16xf32> to vector<16xf32>
      %add3A_252 = arith.addf %add3A_246, %get3A_251 : vector<16xf32>
      %get3A_253 = arith.constant 8 : i32
      %get3A_254 = arith.index_cast %get3A_253 : i32 to index
      %get3A_255 = arith.constant 0 : index
      %get3A_256 = tpu.vector_load %arg13[%get3A_254, %get3A_255] {strides = array<i32>} : memref<16x16xf32, #tpu.memory_space<vmem>>, vector<1x16xf32>,
      %get3A_257 = vector.shape_cast %get3A_256 : vector<1x16xf32> to vector<16xf32>
      %add3A_258 = arith.addf %add3A_252, %get3A_257 : vector<16xf32>
      %get3A_259 = arith.constant 9 : i32
      %get3A_260 = arith.index_cast %get3A_259 : i32 to index
      %get3A_261 = arith.constant 0 : index
      %get3A_262 = tpu.vector_load %arg13[%get3A_260, %get3A_261] {strides = array<i32>} : memref<16x16xf32, #tpu.memory_space<vmem>>, vector<1x16xf32>,
      %get3A_263 = vector.shape_cast %get3A_262 : vector<1x16xf32> to vector<16xf32>
      %add3A_264 = arith.addf %add3A_258, %get3A_263 : vector<16xf32>
      %get3A_265 = arith.constant 10 : i32
      %get3A_266 = arith.index_cast %get3A_265 : i32 to index
      %get3A_267 = arith.constant 0 : index
      %get3A_268 = tpu.vector_load %arg13[%get3A_266, %get3A_267] {strides = array<i32>} : memref<16x16xf32, #tpu.memory_space<vmem>>, vector<1x16xf32>,
      %get3A_269 = vector.shape_cast %get3A_268 : vector<1x16xf32> to vector<16xf32>
      %add3A_270 = arith.addf %add3A_264, %get3A_269 : vector<16xf32>
      %get3A_271 = arith.constant 11 : i32
      %get3A_272 = arith.index_cast %get3A_271 : i32 to index
      %get3A_273 = arith.constant 0 : index
      %get3A_274 = tpu.vector_load %arg13[%get3A_272, %get3A_273] {strides = array<i32>} : memref<16x16xf32, #tpu.memory_space<vmem>>, vector<1x16xf32>,
      %get3A_275 = vector.shape_cast %get3A_274 : vector<1x16xf32> to vector<16xf32>
      %add3A_276 = arith.addf %add3A_270, %get3A_275 : vector<16xf32>
      %get3A_277 = arith.constant 12 : i32
      %get3A_278 = arith.index_cast %get3A_277 : i32 to index
      %get3A_279 = arith.constant 0 : index
      %get3A_280 = tpu.vector_load %arg13[%get3A_278, %get3A_279] {strides = array<i32>} : memref<16x16xf32, #tpu.memory_space<vmem>>, vector<1x16xf32>,
      %get3A_281 = vector.shape_cast %get3A_280 : vector<1x16xf32> to vector<16xf32>
      %add3A_282 = arith.addf %add3A_276, %get3A_281 : vector<16xf32>
      %get3A_283 = arith.constant 13 : i32
      %get3A_284 = arith.index_cast %get3A_283 : i32 to index
      %get3A_285 = arith.constant 0 : index
      %get3A_286 = tpu.vector_load %arg13[%get3A_284, %get3A_285] {strides = array<i32>} : memref<16x16xf32, #tpu.memory_space<vmem>>, vector<1x16xf32>,
      %get3A_287 = vector.shape_cast %get3A_286 : vector<1x16xf32> to vector<16xf32>
      %add3A_288 = arith.addf %add3A_282, %get3A_287 : vector<16xf32>
      %get3A_289 = arith.constant 14 : i32
      %get3A_290 = arith.index_cast %get3A_289 : i32 to index
      %get3A_291 = arith.constant 0 : index
      %get3A_292 = tpu.vector_load %arg13[%get3A_290, %get3A_291] {strides = array<i32>} : memref<16x16xf32, #tpu.memory_space<vmem>>, vector<1x16xf32>,
      %get3A_293 = vector.shape_cast %get3A_292 : vector<1x16xf32> to vector<16xf32>
      %add3A_294 = arith.addf %add3A_288, %get3A_293 : vector<16xf32>
      %get3A_295 = arith.constant 15 : i32
      %get3A_296 = arith.index_cast %get3A_295 : i32 to index
      %get3A_297 = arith.constant 0 : index
      %get3A_298 = tpu.vector_load %arg13[%get3A_296, %get3A_297] {strides = array<i32>} : memref<16x16xf32, #tpu.memory_space<vmem>>, vector<1x16xf32>,
      %get3A_299 = vector.shape_cast %get3A_298 : vector<1x16xf32> to vector<16xf32>
      %add3A_300 = arith.addf %add3A_294, %get3A_299 : vector<16xf32>
      %mul3A_301 = arith.constant 4.76837158E-7 : f32
      %mul3A_302 = vector.broadcast %mul3A_301 : f32 to vector<16xf32>
      %mul3A_303 = arith.mulf %add3A_300, %mul3A_302 : vector<16xf32>
      %swap3A_304 = arith.constant 0 : index
      %swap3A_305 = tpu.vector_load %arg11[%swap3A_304] {strides = array<i32>} : memref<16xf32, #tpu.memory_space<vmem>>, vector<16xf32>,
      %swap3A_306 = vector.shape_cast %swap3A_305 : vector<16xf32> to vector<16xf32>
      %swap3A_307 = vector.shape_cast %mul3A_303 : vector<16xf32> to vector<16xf32>
      tpu.vector_store %arg11[%swap3A_304], %swap3A_307 {strides = array<i32>} : memref<16xf32, #tpu.memory_space<vmem>>, vector<16xf32>,
      "tpu.region"() ({
        %run_scoped3A = tpu.sem_alloc : memref<!tpu.dma_semaphore, #tpu.memory_space<semaphore_mem>>
        %dma_start3A_308 = arith.constant 0 : i32
        %dma_start3A_309 = tpu.memref_slice %arg6[%arg0, %dma_start3A_308] : memref<2x16xf32, #tpu.memory_space<hbm>> -> memref<1x16xf32, #tpu.memory_space<hbm>>
        %dma_start3A_310 = tpu.memref_squeeze %dma_start3A_309 : memref<1x16xf32, #tpu.memory_space<hbm>> -> memref<16xf32, #tpu.memory_space<hbm>>
        %dma_start3A_311 = arith.constant 0 : i32
        %dma_start3A_312 = tpu.memref_slice %arg6[%arg0, %dma_start3A_311] : memref<2x16xf32, #tpu.memory_space<hbm>> -> memref<1x16xf32, #tpu.memory_space<hbm>>
        %dma_start3A_313 = tpu.memref_squeeze %dma_start3A_312 : memref<1x16xf32, #tpu.memory_space<hbm>> -> memref<16xf32, #tpu.memory_space<hbm>>
        tpu.enqueue_dma source(%arg11 : memref<16xf32, #tpu.memory_space<vmem>>) target(%dma_start3A_313 : memref<16xf32, #tpu.memory_space<hbm>>) target_semaphore(%run_scoped3A : memref<!tpu.dma_semaphore, #tpu.memory_space<semaphore_mem>>)
        %dma_wait3A_314 = arith.constant 0 : i32
        %dma_wait3A_315 = tpu.memref_slice %arg6[%arg0, %dma_wait3A_314] : memref<2x16xf32, #tpu.memory_space<hbm>> -> memref<1x16xf32, #tpu.memory_space<hbm>>
        %dma_wait3A_316 = tpu.memref_squeeze %dma_wait3A_315 : memref<1x16xf32, #tpu.memory_space<hbm>> -> memref<16xf32, #tpu.memory_space<hbm>>
        %dma_wait3A_317 = arith.constant 0 : i32
        %dma_wait3A_318 = tpu.memref_slice %arg6[%arg0, %dma_wait3A_317] : memref<2x16xf32, #tpu.memory_space<hbm>> -> memref<1x16xf32, #tpu.memory_space<hbm>>
        %dma_wait3A_319 = tpu.memref_squeeze %dma_wait3A_318 : memref<1x16xf32, #tpu.memory_space<hbm>> -> memref<16xf32, #tpu.memory_space<hbm>>
        tpu.wait_dma2 semaphore(%run_scoped3A : memref<!tpu.dma_semaphore, #tpu.memory_space<semaphore_mem>>) src(%arg11 : memref<16xf32, #tpu.memory_space<vmem>>) dst(%dma_wait3A_319 : memref<16xf32, #tpu.memory_space<hbm>>)
        tpu.yield
      }) : () -> ()
    } else {
    }
    return
  }
}

</mosaic_0001>

<sc_bundles>
// kernel: kernel.3.cloned.1.call-start
scs
__scs_entry_jumppad:
0x0: {  	(pc) =	sbr.rel $0x88, $3  }
0x1: {  	(tag) =	ssettag $0x0;
	lr =	simm.s32 $0x1  }
0x2: {  	[smem:$0x3F9D] =	sst lr;
	_ =	strace $0xD0000000  }
0x3: {  	_ = 	snop  }
0x4: {  	_ = 	snop  }
0x5: {  	_ = 	snop  }
0x6: {  	_ = 	snop  }
0x7: {  	_ = 	snop  }
__scs_overlays_trampoline_lowered:
0x8: {  	[smem:$0x3FAC] =	sst s0  }
0x9: {  	[smem:$0x3FAD] =	sst s1  }
0xa: {  	[smem:$0x3FAE] =	sst s2  }
0xb: {  	[smem:$0x3FAF] =	sst s3  }
0xc: {  	[smem:$0x3FB0] =	sst s4  }
0xd: {  	[smem:$0x3FB1] =	sst s5  }
0xe: {  	[smem:$0x3FB2] =	sst s6  }
0xf: {  	[smem:$0x3FB3] =	sst s7  }
0x10: {  	[smem:$0x3FB4] =	sst s8  }
0x11: {  	[smem:$0x3FB5] =	sst s9;
	s0 =	simm.s32 @!p0 $0x0  }
0x12: {  	s1 =	sld [smem:$0x3F9B];
	s0 =	simm.s32 @p0 $0x1  }
0x13: {  	[smem:$0x3FB6] =	sst s0;
	s0 =	simm.s32 @!p1 $0x0  }
0x14: {  	s2 =	sld [smem:$0x3F9A];
	s0 =	simm.s32 @p1 $0x1  }
0x15: {  	[smem:$0x3FB7] =	sst s0;
	s0 =	simm.s32 @!p2 $0x0  }
0x16: {  	s3 =	sld [smem:$0x3FDB];
	s0 =	simm.s32 @p2 $0x1  }
0x17: {  	s4 =	simm.s32 $0x1BF5;
	[smem:$0x3FB9] =	sst s0  }
0x18: {  	s0 =	sld [smem:$0x3F9C];
	_ =	swait.ge [sflag:s4], $0x0  }
0x19: {  	s7 =	sld [smem:$0x3F9D]  }
0x1a: {  	s8 =	sadd.s32 $0xFFFFE003, lr  }
0x1b: {  	s9 =	sadd.s32 $0xFFFFFEF7, lr;
	s5 =	simm.s32 $0xFFFFFFFF;
	p2 =	slt.u32 s8, $0xFFFFF086  }
0x1c: {  	p1 =	slt.u32 s9, $0xF7A;
	s5 =	simm.s32 @!p2 $0x0  }
0x1d: {  	s5 =	simm.s32 @p1 $0x1;
	p0 =	seq.s32 s7, s2  }
0x1e: {  	s7 =	smul.u32 @!p0 $0xF7A, s2;
	p2 =	seq.s32 @!p0 s5, $0x0  }
0x1f: {  	s9 =	smul.u32 $0xF7A, s1;
	s8 =	simm.s32 @!p0 $0x1BF5;
	p2 =	por !p2, p0  }
0x20: {  	[sflag:s8] =	ssyncset.s32 @!p0 $0xFFFFF086;
	s6 =	sadd.s32 @!p0 s3, s7;
	s7 =	simm.s32 @!p0 $0x108  }
0x21: {  	s3 =	sadd.s32 s3, s9;
	s6 =	sadd.s32 @!p0 $0x88, s6;
	s7 =	simm.s32 @p2 $0x1082  }
0x22: {  	[simem:s7], [sflag:s8] =	dma.local @!p0 [hbm:s6], $0xF7A  }
0x23: {  	s9 =	sor.u32 $0xD0000000, s2;
	s6 =	simm.s32 $0x108;
	_ =	swait.ge @!p0 [sflag:s8], $0x0  }
0x24: {  	s3 =	sadd.s32 $0x88, s3;
	s6 =	simm.s32 @!p1 $0x1082;
	[sflag:s4] =	ssyncset.s32 $0xFFFFF086  }
0x25: {  	[simem:s6], [sflag:s4] =	dma.local [hbm:s3], $0xF7A  }
0x26: {  	[smem:$0x3F9D] =	sst s1;
	(tag) =	ssettag s2;
	_ =	strace s9  }
0x27: {  	s1 =	sld [smem:$0x3FAD]  }
0x28: {  	s2 =	sld [smem:$0x3FAE]  }
0x29: {  	s4 =	sld [smem:$0x3FB0]  }
0x2a: {  	p0 =	seq.s32 s5, $0x0;
	s5 =	sld [smem:$0x3FB1]  }
0x2b: {  	s6 =	sld [smem:$0x3FB2]  }
0x2c: {  	s7 =	sld [smem:$0x3FB3]  }
0x2d: {  	s3 =	simm.s32 $0x108;
	s8 =	sld [smem:$0x3FB4]  }
0x2e: {  	s3 =	simm.s32 @!p0 $0x1082;
	s9 =	sld [smem:$0x3FB5]  }
0x2f: {  	lr =	sadd.s32 s0, s3;
	s0 =	sld [smem:$0x3FAC]  }
0x30: {  	s3 =	sld [smem:$0x3FAF]  }
0x31: {  	[smem:$0x3FB8] =	sst s10  }
0x32: {  	s10 =	sld [smem:$0x3FB6];
	_ =	sdelay $0x3  }
0x33: {  	p0 =	seq.s32 s10, $0x1;
	s10 =	sld [smem:$0x3FB8];
	_ =	sdelay $0x3  }
0x34: {  	[smem:$0x3FB8] =	sst s10  }
0x35: {  	s10 =	sld [smem:$0x3FB7];
	_ =	sdelay $0x3  }
0x36: {  	p1 =	seq.s32 s10, $0x1;
	s10 =	sld [smem:$0x3FB8];
	_ =	sdelay $0x3  }
0x37: {  	[smem:$0x3FB8] =	sst s10  }
0x38: {  	s10 =	sld [smem:$0x3FB9]  }
0x39: {  	_ = 	snop;
	(pc) =	sbr.ind lr, $3  }
0x3a: {  	_ = 	snop  }
0x3b: {  	_ = 	snop  }
0x3c: {  	p2 =	seq.s32 s10, $0x1;
	s10 =	sld [smem:$0x3FB8]  }
0x3d: {  	_ =	shalt  }
0x3e: {  	_ =	shalt  }
0x3f: {  	_ =	shalt  }
0x40: {  	_ =	shalt  }
0x41: {  	_ =	shalt  }
0x42: {  	_ =	shalt  }
0x43: {  	_ =	shalt  }
0x44: {  	_ =	shalt  }
0x45: {  	_ =	shalt  }
0x46: {  	_ =	shalt  }
0x47: {  	_ =	shalt  }
0x48: {  	_ =	shalt  }
0x49: {  	_ =	shalt  }
0x4a: {  	_ =	shalt  }
0x4b: {  	_ =	shalt  }
0x4c: {  	_ =	shalt  }
0x4d: {  	_ =	shalt  }
0x4e: {  	_ =	shalt  }
0x4f: {  	_ =	shalt  }
0x50: {  	_ =	shalt  }
0x51: {  	_ =	shalt  }
0x52: {  	_ =	shalt  }
0x53: {  	_ =	shalt  }
0x54: {  	_ =	shalt  }
0x55: {  	_ =	shalt  }
0x56: {  	_ =	shalt  }
0x57: {  	_ =	shalt  }
0x58: {  	_ =	shalt  }
0x59: {  	_ =	shalt  }
0x5a: {  	_ =	shalt  }
0x5b: {  	_ =	shalt  }
0x5c: {  	_ =	shalt  }
0x5d: {  	_ =	shalt  }
0x5e: {  	_ =	shalt  }
0x5f: {  	_ =	shalt  }
0x60: {  	_ =	shalt  }
0x61: {  	_ =	shalt  }
0x62: {  	_ =	shalt  }
0x63: {  	_ =	shalt  }
0x64: {  	_ =	shalt  }
0x65: {  	_ =	shalt  }
0x66: {  	_ =	shalt  }
0x67: {  	_ =	shalt  }
0x68: {  	_ =	shalt  }
0x69: {  	_ =	shalt  }
0x6a: {  	_ =	shalt  }
0x6b: {  	_ =	shalt  }
0x6c: {  	_ =	shalt  }
0x6d: {  	_ =	shalt  }
0x6e: {  	_ =	shalt  }
0x6f: {  	_ =	shalt  }
0x70: {  	_ =	shalt  }
0x71: {  	_ =	shalt  }
0x72: {  	_ =	shalt  }
0x73: {  	_ =	shalt  }
0x74: {  	_ =	shalt  }
0x75: {  	_ =	shalt  }
0x76: {  	_ =	shalt  }
0x77: {  	_ =	shalt  }
0x78: {  	_ =	shalt  }
0x79: {  	_ =	shalt  }
0x7a: {  	_ =	shalt  }
0x7b: {  	_ =	shalt  }
0x7c: {  	_ =	shalt  }
0x7d: {  	_ =	shalt  }
0x7e: {  	_ =	shalt  }
0x7f: {  	_ =	shalt  }
0x80: {  	_ =	shalt  }
0x81: {  	_ =	shalt  }
0x82: {  	_ =	shalt  }
0x83: {  	_ =	shalt  }
0x84: {  	_ =	shalt  }
0x85: {  	_ =	shalt  }
0x86: {  	_ =	shalt  }
0x87: {  	_ =	shalt  }
.Lfunc_end0:
.L_simem_size_0:
called_computation_lowered:
.L_overlay_start_0:
0x88: {  	s2 =	sld [smem:$0x3FD9]  }
0x89: {  	s3 =	sld [smem:$0x3FFE];
	_ =	sdelay $0x1  }
0x8a: {  	s1 =	srdreg.scid  }
0x8b: {  	s0 =	sand.u32 $0x1, s1  }
0x8c: {  	s17 =	sshll.u32 s0, $0xA;
	s2 =	sadd.s32 s3, s2  }
0x8d: {  	s2 =	sadd.s32 s2, s17  }
0x8e: {  	[smem:$0x3FC4] =	sst s2  }
0x8f: {  	_ = 	snop  }
0x90: {  	s2 =	sld [smem:$0x3FC9]  }
0x91: {  	s18 =	sld [smem:$0x3FC8]  }
0x92: {  	s4 =	sld [smem:$0x3FD0];
	(tm) =	ssettm $0x1  }
0x93: {  	s5 =	sld [smem:$0x3FFB];
	_ =	sdelay $0x3  }
0x94: {  	_ =	strace s5  }
0x95: {  	s5 =	sld [smem:$0x3FFC];
	_ =	sdelay $0x3  }
0x96: {  	_ =	strace s5  }
0x97: {  	s5 =	sld [smem:$0x3FFD];
	_ =	sdelay $0x3  }
0x98: {  	_ =	strace s5  }
0x99: {  	_ =	strace $0x8FFFFFFF  }
0x9a: {  	s19 =	sld [smem:$0x3FDB];
	_ =	sdelay $0x1  }
0x9b: {  	s6 =	simm.s32 $_scs_section_size  }
0x9c: {  	s7 =	simm.s32 $_size__tile_overlayer_lowered;
	s8 =	simm.s32 $_tile_overlayer_lowered  }
0x9d: {  	s22 =	simm.s32 $0x1BFF;
	s21 =	sshll.u32 s8, $0x1;
	s5 =	sadd.s32 s6, s19  }
0x9e: {  	s9 =	simm.s32 $0x0;
	s20 =	sshll.u32 s7, $0x1;
	s7 =	sadd.s32 s21, s5  }
0x9f: {  	[timem:s9], [sflag:s22] =	dma.local [hbm:s7], s20  }
0xa0: {  	_ =	swait.ge [sflag:s22], s20  }
0xa1: {  	s6 =	ssub.s32 $0x0, s20;
	[sflag:s22] =	ssyncset.done $0x0  }
0xa2: {  	[sflag:s22] =	ssyncadd.s32 s6;
	_ =	sdelay $0x1  }
0xa3: {  	s23 =	simm.s32 $0x1B8B  }
0xa4: {  	_ =	swait.ge [sflag:s23], $0x1  }
0xa5: {  	[sflag:s23] =	ssyncset.done $0x0  }
0xa6: {  	s25 =	simm.s32 $0x1B8E;
	s24 =	sld [smem:$0x3FFE];
	[sflag:s23] =	ssyncadd.s32 $0xFFFFFFFF  }
0xa7: {  	s26 =	simm.s32 $execute0_lowered;
	[smem:$0x3FD2] =	sst s25  }
0xa8: {  	s7 =	sshll.u32 s26, $0x1;
	_ =	strace $0x80000046;
	[dreg:$0x1] =	wrdreg $0xFFFFFFFF  }
0xa9: {  	s28 =	simm.s32 $_size_execute0_lowered;
	s5 =	sadd.s32 s5, s7;
	[dreg:$0x0] =	wrdreg $0x0  }
0xaa: {  	s7 =	sshll.u32 s28, $0x1;
	[dreg:$0x2] =	wrdreg s5  }
0xab: {  	[dreg:$0x3] =	wrdreg s7  }
0xac: {  	[dreg:$0x4] =	wrdreg $0xC0  }
0xad: {  	_ =	task [dreg:s9], $0x5FFFF  }
0xae: {  	[dreg:$0x1] =	wrdreg $0xFFFFFFFF  }
0xaf: {  	[dreg:$0x0] =	wrdreg $0x60  }
0xb0: {  	[dreg:$0x2] =	wrdreg s2  }
0xb1: {  	[dreg:$0x3] =	wrdreg s18  }
0xb2: {  	[dreg:$0x4] =	wrdreg s24  }
0xb3: {  	[dreg:$0x5] =	wrdreg s4  }
0xb4: {  	[dreg:$0x6] =	wrdreg $0x104100  }
0xb5: {  	[dreg:$0x7] =	wrdreg $0x9  }
0xb6: {  	_ =	task.clear_ibuf [dreg:s9], $0x8FFFF;
	_ =	strace $0x90000046  }
0xb7: {  	s29 =	simm.s32 $0x9;
	_ =	strace $0x80000048  }
0xb8: {  	_ =	swait.ge [sflag:s29], $0x1  }
0xb9: {  	[sflag:s29] =	ssyncadd.s32 $0xFFFFFFFF  }
0xba: {  	_ =	strace $0x90000048  }
0xbb: {  	_ =	sfence  }
0xbc: {  	s30 =	sld [smem:$0x0];
	_ =	sdelay $0x2  }
0xbd: {  	s31 =	sshll.u32 s1, $0xD;
	s1 =	sshrl.u32 s1, $0x2  }
0xbe: {  	s3 =	sand.u32 $0x4000, s31;
	s1 =	sadd.s32 s1, s30  }
0xbf: {  	s0 =	sor.u32 s3, s0;
	s1 =	sshll.u32 s1, $0x11  }
0xc0: {  	s0 =	sor.u32 s1, s0  }
0xc1: {  	s0 =	sadd.s32 $0x8F2B, s0  }
0xc2: {  	[sflag:s0] =	ssyncadd.remote.s32 $0x1  }
0xc3: {  	_ =	sfence.sel $0xFFFF  }
0xc4: {  	[dreg:$0x0] =	wrdreg $0xFFFFFFFF;
	(pc) =	sbr.abs _section_cstart, $3  }
0xc5: {  	[dreg:$0x1] =	wrdreg $0xFFFFFFFF  }
0xc6: {  	_ =	task.clear_ibuf [dreg:s9], $0x2FFFF;
	_ =	strace $0x9FFFFFFF  }
0xc7: {  	(tm) =	ssettm $0x7FFFFFFF  }
tec
execute0_lowered:
.L_overlay_start_1:
0x0: {  	(tag) =	ssettag $0x1  }
0x1: {  	s5 =	rddreg [dreg:$0x0]  }
0x2: {  	s6 =	rddreg [dreg:$0x1]  }
0x3: {  	s4 =	rddreg [dreg:$0x2]  }
0x4: {  	s8 =	rddreg [dreg:$0x3]  }
0x5: {  	s1 =	rddreg [dreg:$0x4];
	s2 =	simm.s32 $0x0;
	s3 =	srdreg.scid  }
0x6: {  	s25 =	stileid.u32;
	s13 =	simm.s32 $0x400;
	s14 =	simm.s32 $0x8400  }
0x7: {  	s15 =	simm.s32 $0x2400;
	s16 =	simm.s32 $0x280;
	s17 =	simm.s32 $0xA400  }
0x8: {  	s18 =	simm.s32 $0x100;
	s19 =	simm.s32 $0x4400;
	s20 =	simm.s32 $0x300  }
0x9: {  	s21 =	simm.s32 $0xC400;
	s22 =	simm.s32 $0x180;
	s23 =	simm.s32 $0x6400  }
0xa: {  	s24 =	simm.s32 $0x380;
	s28 =	simm.s32 $0x10400;
	s29 =	simm.s32 $0x0  }
0xb: {  	[smem:$0x7FF] =	sst s2;
	s7 =	sand.u32 $0x1, s3;
	s3 =	sadd.s32 $0xF42400, s4  }
0xc: {  	s11 =	sshll.u32 s25, $0x7;
	s4 =	sadd.s32 $0x16E3600, s4;
	s30 =	sshll.u32 s25, $0x4  }
0xd: {  	p0 =	sne.s32 s25, $0x0;
	s25 =	simm.s32 $0xE400;
	_ =	strace $0x80000047  }
0xe: {  	s9 =	ssub.s32 $0x2, s7;
	s12 =	sshll.u32 s7, $0x6;
	s31 =	sshll.u32 s7, $0x1  }
0xf: {  	s7 =	sadd.s32 s30, s1;
	s10 =	sshrl.u32 s9, $0x1;
	s26 =	sor.u32 s12, s11  }
0x10: {  	s8 =	sadd.s32 s8, s31;
	s11 =	simm.s32 $0x200;
	s12 =	simm.s32 $0x80  }
0x11: {  	s9 =	ssub.s32 s9, s10;
	s5 =	sadd.s32 s5, s26;
	s6 =	sadd.s32 s6, s26  }
0x12: {  	s10 =	simm.s32 $0x2;
	s26 =	simm.s32 $0x1;
	s9 =	smax.u32 s9, $0x1  }
.LBB2_1:
0x13: {  	[tilespmem:s2], [sflag:$0x2] =	stream.linear.gather [hbm4b:s5+s2], $0x200, $0x38;
	[tilespmem:$0x10520] =	vst v63  }
0x14: {  	_ =	swait.ge [sflag:s10], $0x200  }
0x15: {  	[sflag:s10] =	ssyncset.done $0x0  }
0x16: {  	[sflag:s10] =	ssyncadd.s32 $0xFFFFFE00  }
0x17: {  	[tilespmem:s11], [sflag:$0x2] =	stream.linear.gather [hbm4b:s6+s2], $0x200, $0x38;
	[tilespmem:$0x10520] =	vst v63  }
0x18: {  	_ =	swait.ge [sflag:s10], $0x200  }
0x19: {  	[sflag:s10] =	ssyncset.done $0x0  }
0x1a: {  	[sflag:s10] =	ssyncadd.s32 $0xFFFFFE00  }
0x1b: {  	[tilespmem:s13], [sflag:$0x1] =	stream.indirect.gather [hbm4b:s3+s12], $0x40, s2, s12, $0xb8;
	[tilespmem:$0x10520] =	vst v63  }
0x1c: {  	_ = 	snop  }
0x1d: {  	[tilespmem:s14], [sflag:$0x1] =	stream.indirect.gather [hbm4b:s4+s12], $0x40, s11, s12, $0xb8;
	[tilespmem:$0x10520] =	vst v63  }
0x1e: {  	_ = 	snop  }
0x1f: {  	[tilespmem:s15], [sflag:$0x1] =	stream.indirect.gather [hbm4b:s3+s12], $0x40, s12, s12, $0xb8;
	[tilespmem:$0x10520] =	vst v63  }
0x20: {  	_ = 	snop  }
0x21: {  	[tilespmem:s17], [sflag:$0x1] =	stream.indirect.gather [hbm4b:s4+s12], $0x40, s16, s12, $0xb8;
	[tilespmem:$0x10520] =	vst v63  }
0x22: {  	_ = 	snop  }
0x23: {  	[tilespmem:s19], [sflag:$0x1] =	stream.indirect.gather [hbm4b:s3+s12], $0x40, s18, s12, $0xb8;
	[tilespmem:$0x10520] =	vst v63  }
0x24: {  	_ = 	snop  }
0x25: {  	[tilespmem:s21], [sflag:$0x1] =	stream.indirect.gather [hbm4b:s4+s12], $0x40, s20, s12, $0xb8;
	[tilespmem:$0x10520] =	vst v63  }
0x26: {  	_ = 	snop  }
0x27: {  	[tilespmem:s23], [sflag:$0x1] =	stream.indirect.gather [hbm4b:s3+s12], $0x40, s22, s12, $0xb8;
	[tilespmem:$0x10520] =	vst v63  }
0x28: {  	_ = 	snop  }
0x29: {  	[tilespmem:s25], [sflag:$0x1] =	stream.indirect.gather [hbm4b:s4+s12], $0x40, s24, s12, $0xb8;
	[tilespmem:$0x10520] =	vst v63  }
0x2a: {  	_ =	swait.ge [sflag:s26], $0x2000  }
0x2b: {  	[sflag:s26] =	ssyncset.done $0x0  }
0x2c: {  	[sflag:s26] =	ssyncadd.s32 $0xFFFFE000  }
0x2d: {  	_ =	swait.ge [sflag:s26], $0x2000  }
0x2e: {  	[sflag:s26] =	ssyncset.done $0x0  }
0x2f: {  	[sflag:s26] =	ssyncadd.s32 $0xFFFFE000  }
0x30: {  	_ =	swait.ge [sflag:s26], $0x2000  }
0x31: {  	[sflag:s26] =	ssyncset.done $0x0  }
0x32: {  	[sflag:s26] =	ssyncadd.s32 $0xFFFFE000  }
0x33: {  	_ =	swait.ge [sflag:s26], $0x2000  }
0x34: {  	[sflag:s26] =	ssyncset.done $0x0  }
0x35: {  	[sflag:s26] =	ssyncadd.s32 $0xFFFFE000  }
0x36: {  	_ =	swait.ge [sflag:s26], $0x2000  }
0x37: {  	[sflag:s26] =	ssyncset.done $0x0  }
0x38: {  	[sflag:s26] =	ssyncadd.s32 $0xFFFFE000  }
0x39: {  	_ =	swait.ge [sflag:s26], $0x2000  }
0x3a: {  	[sflag:s26] =	ssyncset.done $0x0  }
0x3b: {  	[sflag:s26] =	ssyncadd.s32 $0xFFFFE000  }
0x3c: {  	_ =	swait.ge [sflag:s26], $0x2000  }
0x3d: {  	[sflag:s26] =	ssyncset.done $0x0  }
0x3e: {  	[sflag:s26] =	ssyncadd.s32 $0xFFFFE000  }
0x3f: {  	_ =	swait.ge [sflag:s26], $0x2000  }
0x40: {  	[sflag:s26] =	ssyncset.done $0x0  }
0x41: {  	s30 =	simm.s32 $0x0;
	[sflag:s26] =	ssyncadd.s32 $0xFFFFE000  }
0x42: {  	v0 =	vld [tilespmem:s30+$0xE400]  }
0x43: {  	v2 =	vld [tilespmem:s30+$0xE410]  }
0x44: {  	v1 =	vld [tilespmem:s30+$0xC400]  }
0x45: {  	v3 =	vld [tilespmem:s30+$0xC410]  }
0x46: {  	v4 =	vld [tilespmem:s30+$0xA400]  }
0x47: {  	v5 =	vld [tilespmem:s30+$0xA410]  }
0x48: {  	v6 =	vld [tilespmem:s30+$0x8400]  }
0x49: {  	v7 =	vld [tilespmem:s30+$0x8410]  }
0x4a: {  	v8 =	vld [tilespmem:s30+$0x6400]  }
0x4b: {  	v9 =	vld [tilespmem:s30+$0x6410]  }
0x4c: {  	v10 =	vld [tilespmem:s30+$0x4400]  }
0x4d: {  	v11 =	vld [tilespmem:s30+$0x4410]  }
0x4e: {  	v16 =	vld [tilespmem:s30+$0x2400]  }
0x4f: {  	v17 =	vld [tilespmem:s30+$0x2410]  }
0x50: {  	v18 =	vld [tilespmem:s30+$0x400]  }
0x51: {  	v12 =	vimm.f32 $0.0e+00;
	v20 =	vld [tilespmem:s30+$0x410]  }
0x52: {  	s31 =	simm.s32 $0x100;
	v15 =	vimm.f32 $0.0e+00;
	v13 =	vimm.f32 $0.0e+00;
	v14 =	vimm.f32 $0.0e+00;
	v19 =	vld [tilespmem:s30+$0x420]  }
.LBB2_2:
0x53: {  	p1 =	sne.s32 s31, $0x7F00;
	v21 =	vld [tilespmem:s30+$0x430]  }
0x54: {  	v22 =	vld [tilespmem:s30+$0x2420]  }
0x55: {  	v23 =	vld [tilespmem:s30+$0x2430]  }
0x56: {  	v24 =	vld [tilespmem:s30+$0x4420]  }
0x57: {  	v12 =	vadd.f32 v18, v12;
	v15 =	vadd.f32 v20, v15;
	v18 =	vld [tilespmem:s30+$0x4430]  }
0x58: {  	v13 =	vadd.f32 v19, v13;
	v14 =	vadd.f32 v21, v14;
	v19 =	vld [tilespmem:s30+$0x6420]  }
0x59: {  	v12 =	vadd.f32 v16, v12;
	v15 =	vadd.f32 v17, v15;
	v16 =	vld [tilespmem:s30+$0x6430]  }
0x5a: {  	v13 =	vadd.f32 v22, v13;
	v14 =	vadd.f32 v23, v14;
	v17 =	vld [tilespmem:s30+$0x8420]  }
0x5b: {  	v10 =	vadd.f32 v10, v12;
	v11 =	vadd.f32 v11, v15;
	v12 =	vld [tilespmem:s30+$0x8430]  }
0x5c: {  	v13 =	vadd.f32 v24, v13;
	v14 =	vadd.f32 v18, v14;
	v15 =	vld [tilespmem:s30+$0xA420]  }
0x5d: {  	v8 =	vadd.f32 v8, v10;
	v9 =	vadd.f32 v9, v11;
	v10 =	vld [tilespmem:s30+$0xA430]  }
0x5e: {  	v11 =	vadd.f32 v19, v13;
	v13 =	vadd.f32 v16, v14;
	v14 =	vld [tilespmem:s30+$0xC420]  }
0x5f: {  	v6 =	vadd.f32 v6, v8;
	v7 =	vadd.f32 v7, v9;
	v8 =	vld [tilespmem:s30+$0xC430]  }
0x60: {  	v9 =	vadd.f32 v17, v11;
	v11 =	vadd.f32 v12, v13;
	v13 =	vld [tilespmem:s30+$0xE420]  }
0x61: {  	v4 =	vadd.f32 v4, v6;
	v5 =	vadd.f32 v5, v7;
	v6 =	vld [tilespmem:s30+$0xE430];
	s30 =	sshra.s32 s31, $0x2  }
0x62: {  	v9 =	vadd.f32 v15, v9;
	v7 =	vld [tilespmem:s30+$0xE400];
	v10 =	vadd.f32 v10, v11  }
0x63: {  	v4 =	vadd.f32 v1, v4;
	v5 =	vadd.f32 v3, v5;
	v11 =	vld [tilespmem:s30+$0xE410]  }
0x64: {  	v9 =	vadd.f32 v14, v9;
	v1 =	vld [tilespmem:s30+$0xC400];
	v8 =	vadd.f32 v8, v10  }
0x65: {  	v12 =	vadd.f32 v0, v4;
	v15 =	vadd.f32 v2, v5;
	v3 =	vld [tilespmem:s30+$0xC410]  }
0x66: {  	v13 =	vadd.f32 v13, v9;
	v4 =	vld [tilespmem:s30+$0xA400];
	v14 =	vadd.f32 v6, v8  }
0x67: {  	v5 =	vld [tilespmem:s30+$0xA410];
	v0 =	vmov v7  }
0x68: {  	v6 =	vld [tilespmem:s30+$0x8400];
	v2 =	vmov v11  }
0x69: {  	v7 =	vld [tilespmem:s30+$0x8410]  }
0x6a: {  	v8 =	vld [tilespmem:s30+$0x6400]  }
0x6b: {  	v9 =	vld [tilespmem:s30+$0x6410]  }
0x6c: {  	v10 =	vld [tilespmem:s30+$0x4400]  }
0x6d: {  	v11 =	vld [tilespmem:s30+$0x4410]  }
.Ltmp0:
0x6e: {  	v16 =	vld [tilespmem:s30+$0x2400];
	(pc) =	sbr.rel @p1 .LBB2_2-.Ltmp0, $4  }
0x6f: {  	v17 =	vld [tilespmem:s30+$0x2410]  }
0x70: {  	v18 =	vld [tilespmem:s30+$0x400]  }
0x71: {  	v20 =	vld [tilespmem:s30+$0x410]  }
0x72: {  	s31 =	sadd.s32 $0x100, s31;
	v19 =	vld [tilespmem:s30+$0x420]  }
0x73: {  	v21 =	vld [tilespmem:s30+$0x430]  }
0x74: {  	v22 =	vld [tilespmem:s30+$0x2420]  }
0x75: {  	v23 =	vld [tilespmem:s30+$0x2430]  }
0x76: {  	v24 =	vld [tilespmem:s30+$0x4420]  }
0x77: {  	v41 =	vld [tilespmem:s30+$0x4430];
	v12 =	vadd.f32 v18, v12;
	v15 =	vadd.f32 v20, v15  }
0x78: {  	v42 =	vld [tilespmem:s30+$0x6420];
	v13 =	vadd.f32 v19, v13;
	v14 =	vadd.f32 v21, v14  }
0x79: {  	v43 =	vld [tilespmem:s30+$0x6430];
	v12 =	vadd.f32 v16, v12;
	v15 =	vadd.f32 v17, v15  }
0x7a: {  	v44 =	vld [tilespmem:s30+$0x8420];
	v13 =	vadd.f32 v22, v13;
	v14 =	vadd.f32 v23, v14  }
0x7b: {  	v45 =	vld [tilespmem:s30+$0x8430];
	v10 =	vadd.f32 v10, v12;
	v11 =	vadd.f32 v11, v15  }
0x7c: {  	v46 =	vld [tilespmem:s30+$0xA420];
	v13 =	vadd.f32 v24, v13;
	v14 =	vadd.f32 v41, v14  }
0x7d: {  	v47 =	vld [tilespmem:s30+$0xA430];
	v8 =	vadd.f32 v8, v10;
	v9 =	vadd.f32 v9, v11  }
0x7e: {  	v50 =	vld [tilespmem:s30+$0xC420];
	v48 =	vadd.f32 v42, v13;
	v49 =	vadd.f32 v43, v14  }
0x7f: {  	v51 =	vld [tilespmem:s30+$0xC430];
	v6 =	vadd.f32 v6, v8;
	v7 =	vadd.f32 v7, v9  }
0x80: {  	v54 =	vld [tilespmem:s30+$0xE420];
	v52 =	vadd.f32 v44, v48;
	v53 =	vadd.f32 v45, v49  }
0x81: {  	v55 =	vld [tilespmem:s30+$0xE430];
	v4 =	vadd.f32 v4, v6;
	v5 =	vadd.f32 v5, v7  }
0x82: {  	v56 =	vadd.f32 v46, v52;
	v57 =	vadd.f32 v47, v53  }
0x83: {  	v1 =	vadd.f32 v1, v4;
	v3 =	vadd.f32 v3, v5  }
0x84: {  	v58 =	vadd.f32 v50, v56;
	v59 =	vadd.f32 v51, v57  }
0x85: {  	v0 =	vadd.f32 v0, v1;
	v60 =	vadd.f32 v2, v3  }
0x86: {  	v61 =	vadd.f32 v54, v58;
	v62 =	vadd.f32 v55, v59;
	_ =	sdelay $0x1  }
0x87: {  	v0 =	vadd.f32 v60, v0;
	v63 =	vadd.f32 v62, v61;
	_ =	sdelay $0x1  }
0x88: {  	v0 =	vadd.f32 v63, v0;
	_ =	sdelay $0x1  }
0x89: {  	[tilespmem:$0x10400] =	vst v0  }
0x8a: {  	[spmem:s7] =	stream.linear.scatter [tilespmem:s28], [sflag:$0x2], $0x10, $0x38;
	[tilespmem:$0x10520] =	vst v63  }
0x8b: {  	_ =	swait.ge [sflag:s10], $0x10  }
0x8c: {  	[sflag:s10] =	ssyncset.done $0x0  }
0x8d: {  	[sflag:s10] =	ssyncadd.s32 $0xFFFFFFF0  }
0x8e: {  	s30 =	simm.s32 @!p0 $0x10420;
	[bflag:$0x0] =	sbarrier.arrive $0xFFFF  }
0x8f: {  	[tilespmem:s30], [sflag:$0x2] =	stream.linear.gather @!p0 [spmem:s1], $0x100, $0x38;
	[tilespmem:$0x10520] =	vst v63  }
0x90: {  	s30 =	simm.s32 @!p0 $0x2  }
0x91: {  	_ =	swait.ge @!p0 [sflag:s30], $0x100  }
0x92: {  	[sflag:s30] =	ssyncset.done @!p0 $0x0  }
0x93: {  	[sflag:s30] =	ssyncadd.s32 @!p0 $0xFFFFFF00  }
0x94: {  	v0 =	vld @!p0 [tilespmem:$0x10420]  }
0x95: {  	v1 =	vld @!p0 [tilespmem:$0x10430];
	_ =	sdelay $0x1  }
0x96: {  	v2 =	vld @!p0 [tilespmem:$0x10440];
	_ =	sdelay $0x1  }
0x97: {  	v3 =	vld @!p0 [tilespmem:$0x10450]  }
0x98: {  	v0 =	vadd.f32 @!p0 v1, v0  }
0x99: {  	v1 =	vld @!p0 [tilespmem:$0x10460]  }
0x9a: {  	v0 =	vadd.f32 @!p0 v2, v0  }
0x9b: {  	v2 =	vld @!p0 [tilespmem:$0x10470]  }
0x9c: {  	v0 =	vadd.f32 @!p0 v3, v0  }
0x9d: {  	v3 =	vld @!p0 [tilespmem:$0x10480]  }
0x9e: {  	v0 =	vadd.f32 @!p0 v1, v0  }
0x9f: {  	v1 =	vld @!p0 [tilespmem:$0x10490]  }
0xa0: {  	v0 =	vadd.f32 @!p0 v2, v0  }
0xa1: {  	v2 =	vld @!p0 [tilespmem:$0x104A0]  }
0xa2: {  	v0 =	vadd.f32 @!p0 v3, v0  }
0xa3: {  	v3 =	vld @!p0 [tilespmem:$0x104B0]  }
0xa4: {  	v0 =	vadd.f32 @!p0 v1, v0  }
0xa5: {  	v1 =	vld @!p0 [tilespmem:$0x104C0]  }
0xa6: {  	v0 =	vadd.f32 @!p0 v2, v0  }
0xa7: {  	v2 =	vld @!p0 [tilespmem:$0x104D0]  }
0xa8: {  	v0 =	vadd.f32 @!p0 v3, v0  }
0xa9: {  	v3 =	vld @!p0 [tilespmem:$0x104E0]  }
0xaa: {  	v0 =	vadd.f32 @!p0 v1, v0  }
0xab: {  	v1 =	vld @!p0 [tilespmem:$0x104F0]  }
0xac: {  	v0 =	vadd.f32 @!p0 v2, v0  }
0xad: {  	v2 =	vld @!p0 [tilespmem:$0x10500]  }
0xae: {  	v0 =	vadd.f32 @!p0 v3, v0  }
0xaf: {  	v3 =	vld @!p0 [tilespmem:$0x10510]  }
0xb0: {  	v0 =	vadd.f32 @!p0 v1, v0;
	_ =	sdelay $0x1  }
0xb1: {  	v0 =	vadd.f32 @!p0 v2, v0;
	_ =	sdelay $0x1  }
0xb2: {  	v0 =	vadd.f32 @!p0 v3, v0;
	_ =	sdelay $0x1  }
0xb3: {  	s29 =	sadd.s32 $0x1, s29;
	v0 =	vmul.f32 @!p0 $4.768371580e-07, v0  }
0xb4: {  	p1 =	sne.s32 s29, s9  }
.Ltmp1:
0xb5: {  	s31 =	simm.s32 @!p0 $0x0;
	s0 =	simm.s32 @!p0 $0x10400;
	[tilespmem:$0x10400] =	vst @!p0 v0;
	(pc) =	sbr.rel @p1 .LBB2_1-.Ltmp1, $4  }
0xb6: {  	[hbm4b:s8+s31] =	stream.linear.scatter @!p0 [tilespmem:s0], [sflag:$0x2], $0x10, $0x38;
	[tilespmem:$0x10520] =	vst v63  }
0xb7: {  	_ =	swait.ge @!p0 [sflag:s30], $0x10  }
0xb8: {  	[sflag:s30] =	ssyncset.done @!p0 $0x0  }
0xb9: {  	[sflag:s30] =	ssyncadd.s32 @!p0 $0xFFFFFFF0  }
0xba: {  	_ =	sfence.sel $0x180000  }
0xbb: {  	[bflag:$0x0] =	sbarrier.arrive $0xFFFF  }
0xbc: {  	_ =	strace $0x90000047  }
0xbd: {  	[bflag:$0x2] =	sbarrier.arrive $0xFFFF  }
0xbe: {  	s0 =	rddreg [dreg:$0x5]  }
0xbf: {  	s0 =	sadd.s32 @!p0 $0x100000, s0  }
0xc0: {  	[sflag:s0] =	ssyncadd.tile.s32 @!p0 $0x1;
	_ =	shalt  }
.Lfunc_end2:
_tile_overlayer_lowered:
.L_overlay_start_2:
0xc1: {  	(tag) =	ssettag $0x2  }
0xc2: {  	s0 =	rddreg [dreg:$0x0];
	s2 =	stileid.u32  }
0xc3: {  	s1 =	rddreg [dreg:$0x1];
	p0 =	sne.s32 s2, $0x0  }
0xc4: {  	s3 =	rddreg [dreg:$0x2];
	[bflag:$0x3] =	sbarrier.arrive $0xFFFF;
	s2 =	simm.s32 @!p0 $0x1C02  }
0xc5: {  	[timem:s3], [sflag:s2] =	dma.local @!p0 [hbm:s0], s1  }
0xc6: {  	s0 =	simm.s32 @!p0 $0x2  }
0xc7: {  	_ =	swait.ge @!p0 [sflag:s0], s1  }
0xc8: {  	s1 =	ssub.s32 @!p0 $0x0, s1;
	[sflag:s0] =	ssyncset.done @!p0 $0x0  }
0xc9: {  	[sflag:s0] =	ssyncadd.s32 @!p0 s1  }
0xca: {  	[bflag:$0x3] =	sbarrier.arrive $0xFFFF  }
0xcb: {  	_ =	shalt  }

</sc_bundles>
